<compile_context>
chip_gen: v7x
topology: tpu7x:2x2x1
jax: 0.10.2.dev20260603
libtpu: 0.0.44.dev20260713+nightly
codegen_flags: <defaults>
</compile_context>

<pallas_src>
import functools

import jax
import jax.numpy as jnp
import numpy as np
from jax import lax
from jax.experimental import pallas as pl
from jax.experimental.pallas import tpu as pltpu
from jax.experimental.pallas import tpu_sc as plsc

N = 10000
E = 160000
D_IN = 128
D_EDGE = 16
D_OUT = 4
HID = 64
NEG_SLOPE = 0.2

NC = 2
NS = 16
NW = NC * NS

EW = E // NW
CK = 200
CKA, CKB = 128, 72
NPAD = 10240
RPS = NPAD // NS
EC = E // NC


@functools.cache
def _sc_kernels():
    mesh = plsc.VectorSubcoreMesh(core_axis_name="c", subcore_axis_name="s")
    NCH = EW // CK

    @functools.partial(
        pl.kernel,
        mesh=mesh,
        out_type=jax.ShapeDtypeStruct((E, D_IN), jnp.float32),
        scratch_types=[
            pltpu.VMEM((CKA,), jnp.int32),
            pltpu.VMEM((CKB,), jnp.int32),
            pltpu.VMEM((CKA, D_IN), jnp.float32),
            pltpu.VMEM((CKB, D_IN), jnp.float32),
            pltpu.SemaphoreType.DMA,
        ],
    )
    def sc_gather(x_hbm, idx_hbm, out_hbm, idx1, idx2, rows1, rows2, semg):
        wid = lax.axis_index("s") * NC + lax.axis_index("c")
        base0 = wid * EW

        def step(i, carry):
            b = base0 + i * CK
            pltpu.sync_copy(idx_hbm.at[pl.ds(b, CKA)], idx1)
            pltpu.sync_copy(idx_hbm.at[pl.ds(b + CKA, CKB)], idx2)
            cp1 = pltpu.async_copy(x_hbm.at[idx1], rows1, semg)
            cp2 = pltpu.async_copy(x_hbm.at[idx2], rows2, semg)
            cp1.wait()
            cp2.wait()
            pltpu.sync_copy(rows1, out_hbm.at[pl.ds(b, CKA)])
            pltpu.sync_copy(rows2, out_hbm.at[pl.ds(b + CKA, CKB)])
            return carry

        lax.fori_loop(0, NCH, step, 0)

    @functools.partial(
        pl.kernel,
        mesh=mesh,
        out_type=jax.ShapeDtypeStruct((NC * NPAD, 8), jnp.float32),
        scratch_types=[
            pltpu.VMEM((CKA,), jnp.int32),
            pltpu.VMEM((CKB,), jnp.int32),
            pltpu.VMEM((CKA, 8), jnp.float32),
            pltpu.VMEM((CKB, 8), jnp.float32),
            pltpu.VMEM_SHARED((NPAD, 8), jnp.float32),
        ],
    )
    def sc_scatter(rows_hbm, seg_hbm, zeros_hbm, out_hbm,
                   idx1, idx2, rows1, rows2, acc):
        c = lax.axis_index("c")
        s = lax.axis_index("s")
        base0 = c * EC + s * EW
        pltpu.sync_copy(zeros_hbm, acc.at[pl.ds(s * RPS, RPS)])
        plsc.subcore_barrier()

        def step(k, carry):
            b = base0 + k * CK
            pltpu.sync_copy(seg_hbm.at[pl.ds(b, CKA)], idx1)
            pltpu.sync_copy(seg_hbm.at[pl.ds(b + CKA, CKB)], idx2)
            pltpu.sync_copy(rows_hbm.at[pl.ds(b, CKA)], rows1)
            pltpu.sync_copy(rows_hbm.at[pl.ds(b + CKA, CKB)], rows2)
            pltpu.sync_copy(rows1, acc.at[idx1], add=True)
            pltpu.sync_copy(rows2, acc.at[idx2], add=True)
            return carry

        lax.fori_loop(0, NCH, step, 0)
        plsc.subcore_barrier()
        pltpu.sync_copy(acc.at[pl.ds(s * RPS, RPS)],
                        out_hbm.at[pl.ds(c * NPAD + s * RPS, RPS)])

    return sc_gather, sc_scatter


TE = 1000
NT_E = E // TE


def _edge_body(xg, ef, w1s, w1d, b1s, b1d, w2c, b2c, s8m, mm, t8_o, mx_o):
    f32 = jnp.float32
    hs = jnp.maximum(jnp.dot(ef[...], w1s[...], preferred_element_type=f32)
                     + b1s[0:1, :], 0.0)
    hd = jnp.maximum(jnp.dot(ef[...], w1d[...], preferred_element_type=f32)
                     + b1d[0:1, :], 0.0)
    hcat = jnp.concatenate([hs, hs, hs, hs, hd, hd, hd, hd], axis=1)
    xb = xg[...].astype(jnp.bfloat16)
    g = jnp.dot(xb, w2c[...], preferred_element_type=f32)
    p = g * hcat
    xfull = (jnp.dot(p, s8m[...], preferred_element_type=f32)
             + jnp.dot(xb, b2c[...], preferred_element_type=f32))
    t = jnp.dot(xfull, mm[0:8, :], preferred_element_type=f32)
    col = lax.broadcasted_iota(jnp.int32, t.shape, 1)
    t = jnp.where(col == 4, jnp.where(t >= 0, t, NEG_SLOPE * t), t)
    t8_o[...] = t
    mx_o[...] = jnp.broadcast_to(jnp.max(t[:, 4]), (1, 1, 8))


TN = 1000
NT_N = N // TN


def _self_body(x, sw2, mm, t8_o, mx_o):
    f32 = jnp.float32
    xfull = jnp.dot(x[...], sw2[...], preferred_element_type=f32)
    t = jnp.dot(xfull, mm[0:8, :], preferred_element_type=f32)
    col = lax.broadcasted_iota(jnp.int32, t.shape, 1)
    t = jnp.where(col == 4, jnp.where(t >= 0, t, NEG_SLOPE * t), t)
    t8_o[...] = t
    mx_o[...] = jnp.broadcast_to(jnp.max(t[:, 4]), (1, 1, 8))


TB2 = 2000


def _scale_body(t8, ms, s8_o):
    t = t8[...]
    e = jnp.exp(t[:, 4:5] - ms[0:1, 0:1])
    col = lax.broadcasted_iota(jnp.int32, t.shape, 1)
    base = jnp.where(col < 4, t, jnp.where(col == 4, 1.0, 0.0))
    s8_o[...] = e * base


def _combine_body(p0, p1, xs8, ms, bias8, out_o):
    a = p0[...] + p1[...]
    xs = xs8[...]
    es = jnp.exp(xs[:, 4:5] - ms[0:1, 0:1])
    num = a[:, 0:4] + es * xs[:, 0:4]
    den = a[:, 4:5] + es
    out_o[...] = num / (den + 1e-16) + bias8[0:1, 0:4]


def _rep(spec_shape):
    return pl.BlockSpec(spec_shape, lambda i: tuple(0 for _ in spec_shape))


def kernel(x, edge_index, edge_feats, w1_src, b1_src, w2_src, b2_src,
           w1_dst, b1_dst, w2_dst, b2_dst, self_weights, att, bias):
    f32 = jnp.float32
    bf16 = jnp.bfloat16
    dst = edge_index[1]
    seg = edge_index[0]

    w2s = w2_src.reshape(HID, D_IN, D_OUT).transpose(1, 2, 0).reshape(D_IN, D_OUT * HID)
    w2d = w2_dst.reshape(HID, D_IN, D_OUT).transpose(1, 2, 0).reshape(D_IN, D_OUT * HID)
    w2c = jnp.concatenate([w2s, w2d], axis=1).astype(bf16)
    b2c = jnp.concatenate([b2_src.reshape(D_IN, D_OUT),
                           b2_dst.reshape(D_IN, D_OUT)], axis=1).astype(bf16)
    cidx = np.arange(8 * HID)
    s8m = jnp.asarray((cidx[:, None] // HID == np.arange(8)[None, :])
                      .astype(np.float32))
    att8 = att.reshape(8)
    msel = jnp.zeros((8, 8), f32)
    msel = msel.at[4:8, 0:4].set(jnp.eye(4, dtype=f32))
    msel = msel.at[:, 4].set(att8)
    b1s8 = jnp.broadcast_to(b1_src.reshape(1, HID), (8, HID))
    b1d8 = jnp.broadcast_to(b1_dst.reshape(1, HID), (8, HID))
    sw2 = jnp.concatenate([self_weights, self_weights], axis=1)
    bias8 = jnp.broadcast_to(bias.reshape(1, 4), (8, 4))
    zrows = jnp.zeros((RPS, 8), f32)

    sc_gather, sc_scatter = _sc_kernels()

    xg = sc_gather(x, dst)

    t8, mx_e = pl.pallas_call(
        _edge_body,
        grid=(NT_E,),
        in_specs=[
            pl.BlockSpec((TE, D_IN), lambda i: (i, 0)),
            pl.BlockSpec((TE, D_EDGE), lambda i: (i, 0)),
            _rep((D_EDGE, HID)), _rep((D_EDGE, HID)),
            _rep((8, HID)), _rep((8, HID)),
            _rep((D_IN, 8 * HID)), _rep((D_IN, 8)),
            _rep((8 * HID, 8)), _rep((8, 8)),
        ],
        out_specs=[
            pl.BlockSpec((TE, 8), lambda i: (i, 0)),
            pl.BlockSpec((1, 1, 8), lambda i: (i, 0, 0)),
        ],
        out_shape=[
            jax.ShapeDtypeStruct((E, 8), f32),
            jax.ShapeDtypeStruct((NT_E, 1, 8), f32),
        ],
    )(xg, edge_feats, w1_src, w1_dst, b1s8, b1d8, w2c, b2c, s8m, msel)

    xs8, mx_n = pl.pallas_call(
        _self_body,
        grid=(NT_N,),
        in_specs=[
            pl.BlockSpec((TN, D_IN), lambda i: (i, 0)),
            _rep((D_IN, 8)), _rep((8, 8)),
        ],
        out_specs=[
            pl.BlockSpec((TN, 8), lambda i: (i, 0)),
            pl.BlockSpec((1, 1, 8), lambda i: (i, 0, 0)),
        ],
        out_shape=[
            jax.ShapeDtypeStruct((N, 8), f32),
            jax.ShapeDtypeStruct((NT_N, 1, 8), f32),
        ],
    )(x, sw2, msel)

    mstar = jnp.maximum(jnp.max(mx_e), jnp.max(mx_n))
    ms8 = jnp.broadcast_to(mstar, (8, 8))

    s8 = pl.pallas_call(
        _scale_body,
        grid=(E // TB2,),
        in_specs=[pl.BlockSpec((TB2, 8), lambda i: (i, 0)), _rep((8, 8))],
        out_specs=pl.BlockSpec((TB2, 8), lambda i: (i, 0)),
        out_shape=jax.ShapeDtypeStruct((E, 8), f32),
    )(t8, ms8)

    partials = sc_scatter(s8, seg, zrows)
    p0 = partials[0:N]
    p1 = partials[NPAD:NPAD + N]

    out = pl.pallas_call(
        _combine_body,
        grid=(NT_N,),
        in_specs=[
            pl.BlockSpec((TN, 8), lambda i: (i, 0)),
            pl.BlockSpec((TN, 8), lambda i: (i, 0)),
            pl.BlockSpec((TN, 8), lambda i: (i, 0)),
            _rep((8, 8)), _rep((8, 4)),
        ],
        out_specs=pl.BlockSpec((TN, 4), lambda i: (i, 0)),
        out_shape=jax.ShapeDtypeStruct((N, 4), f32),
    )(p0, p1, xs8, ms8, bias8)
    return out

# --- scband reference (transcript-rebuilt; emitter-appended) ---
"""Pipeline reference for scband-dgat-61873298866671 (READ-ONLY COPY).

The authoritative reference and input builder live on the scoring server;
editing this copy changes nothing except your own understanding.
"""

import jax, jax.numpy as jnp
import numpy as np

N = 10000
E = 160000
D_IN = 128
D_EDGE = 16
HEADS = 1
D_OUT = 4
HID = 64
NEG_SLOPE = 0.2


def setup_inputs(seed: int = 0) -> dict:
    key = jax.random.key(seed)
    ks = jax.random.split(key, 16)
    inp = {}
    inp["x"] = jax.random.normal(ks[0], (N, D_IN), dtype=jnp.float32)
    inp["edge_index"] = jax.random.randint(ks[1], (2, E), 0, N, dtype=jnp.int32)
    inp["edge_feats"] = jax.random.normal(ks[2], (E, D_EDGE), dtype=jnp.float32)
    # src WeightNet (hypernetwork MLP: d_edge -> HID -> D_IN * HEADS * D_OUT)
    inp["w1_src"] = jax.random.normal(ks[3], (D_EDGE, HID), dtype=jnp.float32) * 0.1
    inp["b1_src"] = jnp.zeros((HID,), dtype=jnp.float32)
    inp["w2_src"] = jax.random.normal(ks[4], (HID, D_IN * HEADS * D_OUT), dtype=jnp.float32) * 0.05
    inp["b2_src"] = jnp.zeros((D_IN * HEADS * D_OUT,), dtype=jnp.float32)
    # dst WeightNet
    inp["w1_dst"] = jax.random.normal(ks[5], (D_EDGE, HID), dtype=jnp.float32) * 0.1
    inp["b1_dst"] = jnp.zeros((HID,), dtype=jnp.float32)
    inp["w2_dst"] = jax.random.normal(ks[6], (HID, D_IN * HEADS * D_OUT), dtype=jnp.float32) * 0.05
    inp["b2_dst"] = jnp.zeros((D_IN * HEADS * D_OUT,), dtype=jnp.float32)
    # self weights, attention vector, bias
    inp["self_weights"] = jax.random.normal(ks[7], (D_IN, HEADS * D_OUT), dtype=jnp.float32) * (1.0 / np.sqrt(D_IN))
    inp["att"] = jax.random.normal(ks[8], (1, HEADS, 2 * D_OUT), dtype=jnp.float32) * 0.1
    inp["bias"] = jnp.zeros((HEADS * D_OUT,), dtype=jnp.float32)
    return inp


def _wnet(ef, w1, b1, w2, b2):
    h = jax.nn.relu(ef @ w1 + b1)
    out = h @ w2 + b2
    return out.reshape(-1, D_IN, HEADS * D_OUT)


def reference(x, edge_index, edge_feats, w1_src, b1_src, w2_src, b2_src,
              w1_dst, b1_dst, w2_dst, b2_dst, self_weights, att, bias):
    # flow == 'source_to_target' -> i, j = (1, 0)
    i = 1
    # NOTE: original torch code indexes BOTH x_i and x_j with edge_index[i]; kept faithfully.
    x_i_raw = jnp.take(x, edge_index[i], axis=0)
    x_j_raw = jnp.take(x, edge_index[i], axis=0)
    src_weights = _wnet(edge_feats, w1_src, b1_src, w2_src, b2_src)  # [E, D_IN, H*D_OUT]
    dst_weights = _wnet(edge_feats, w1_dst, b1_dst, w2_dst, b2_dst)
    x_i = jnp.einsum('ed,edo->eo', x_i_raw, src_weights).reshape(E, HEADS, D_OUT)
    x_j = jnp.einsum('ed,edo->eo', x_j_raw, dst_weights).reshape(E, HEADS, D_OUT)
    x_self = (x @ self_weights).reshape(N, HEADS, D_OUT)
    self_idxs = jnp.arange(N, dtype=edge_index.dtype)
    alpha_idxs = jnp.concatenate([edge_index[0], self_idxs], axis=0)  # [E+N]
    raw_alpha = jnp.sum(jnp.concatenate([x_i, x_j], axis=-1) * att, axis=-1)          # [E, H]
    raw_alpha_self = jnp.sum(jnp.concatenate([x_self, x_self], axis=-1) * att, axis=-1)  # [N, H]
    raw = jnp.concatenate([raw_alpha, raw_alpha_self], axis=0)  # [E+N, H]
    raw = jax.nn.leaky_relu(raw, NEG_SLOPE)
    # segment softmax over alpha_idxs
    m = jax.ops.segment_max(raw, alpha_idxs, num_segments=N)
    m = jnp.where(jnp.isfinite(m), m, 0.0)
    m = jax.lax.stop_gradient(m)
    e = jnp.exp(raw - m[alpha_idxs])
    s = jax.ops.segment_sum(e, alpha_idxs, num_segments=N)
    alpha = e / (s[alpha_idxs] + 1e-16)  # [E+N, H]
    messages = jnp.concatenate([x_j, x_self], axis=0) * alpha[:, :, None]  # [E+N, H, D_OUT]
    aggr_out = jax.ops.segment_sum(messages, alpha_idxs, num_segments=N)  # [N, H, D_OUT]
    aggr_out = aggr_out.reshape(N, HEADS * D_OUT)  # concat=True
    return aggr_out + bias

if __name__ == "__main__":
    import jax
    _d = setup_inputs()
    print(jax.jit(kernel)(*tuple(_d.values())))

</pallas_src>

<mosaic_0001>
#map = affine_map<(d0, d1) -> (0, 0)>
#map1 = affine_map<(d0, d1) -> (0)>
module attributes {stable_mosaic.version = 14 : i64} {
  func.func @sc_gather(%arg0: i32, %arg1: i32, %arg2: memref<10000x128xf32, #tpu.memory_space<hbm>>, %arg3: memref<160000xi32, #tpu.memory_space<hbm>>, %arg4: memref<160000x128xf32, #tpu.memory_space<hbm>>, %arg5: memref<128xi32, #tpu.memory_space<vmem>>, %arg6: memref<72xi32, #tpu.memory_space<vmem>>, %arg7: memref<128x128xf32, #tpu.memory_space<vmem>>, %arg8: memref<72x128xf32, #tpu.memory_space<vmem>>, %arg9: memref<!tpu.dma_semaphore, #tpu.memory_space<semaphore_mem>>) attributes {dimension_semantics = [#tpu.dimension_semantics<core_parallel>, #tpu.dimension_semantics<subcore_parallel>], iteration_bounds = array<i64: 2, 16>, scalar_prefetch = 0 : i64, scratch_operands = 5 : i64, tpu.core_type = #tpu.core_type<sc_vector_subcore>, window_params = [{transform_indices = #map}, {transform_indices = #map1}, {transform_indices = #map}]} {
    %mul3A = arith.constant 2 : i32
    %mul3A_0 = arith.muli %arg1, %mul3A : i32
    %add3A = arith.addi %mul3A_0, %arg0 : i32
    %mul3A_1 = arith.constant 5000 : i32
    %mul3A_2 = arith.muli %add3A, %mul3A_1 : i32
    %scan3A = arith.constant 0 : i32
    %scan3A_3 = arith.constant 0 : i32
    %scan3A_4 = arith.constant 25 : i32
    %scan3A_5 = arith.addi %scan3A_3, %scan3A_4 : i32
    %scan3A_6 = arith.constant 1 : i32
    scf.for %scan3A_8 = %scan3A_3 to %scan3A_5 step %scan3A_6  : i32 {
      %mul3A_9 = arith.constant 200 : i32
      %mul3A_10 = arith.muli %scan3A_8, %mul3A_9 : i32
      %add3A_11 = arith.addi %mul3A_2, %mul3A_10 : i32
      "tpu.region"() ({
        %run_scoped3A = tpu.sem_alloc : memref<!tpu.dma_semaphore, #tpu.memory_space<semaphore_mem>>
        %dma_start3A_26 = tpu.memref_slice %arg3[%add3A_11] : memref<160000xi32, #tpu.memory_space<hbm>> -> memref<128xi32, #tpu.memory_space<hbm>>
        %dma_start3A_27 = tpu.memref_slice %arg3[%add3A_11] : memref<160000xi32, #tpu.memory_space<hbm>> -> memref<128xi32, #tpu.memory_space<hbm>>
        tpu.enqueue_dma source(%dma_start3A_27 : memref<128xi32, #tpu.memory_space<hbm>>) target(%arg5 : memref<128xi32, #tpu.memory_space<vmem>>) target_semaphore(%run_scoped3A : memref<!tpu.dma_semaphore, #tpu.memory_space<semaphore_mem>>)
        %dma_wait3A_28 = tpu.memref_slice %arg3[%add3A_11] : memref<160000xi32, #tpu.memory_space<hbm>> -> memref<128xi32, #tpu.memory_space<hbm>>
        %dma_wait3A_29 = tpu.memref_slice %arg3[%add3A_11] : memref<160000xi32, #tpu.memory_space<hbm>> -> memref<128xi32, #tpu.memory_space<hbm>>
        tpu.wait_dma2 semaphore(%run_scoped3A : memref<!tpu.dma_semaphore, #tpu.memory_space<semaphore_mem>>) src(%dma_wait3A_29 : memref<128xi32, #tpu.memory_space<hbm>>) dst(%arg5 : memref<128xi32, #tpu.memory_space<vmem>>)
        tpu.yield
      }) : () -> ()
      %add3A_12 = arith.constant 128 : i32
      %add3A_13 = arith.addi %add3A_11, %add3A_12 : i32
      "tpu.region"() ({
        %run_scoped3A = tpu.sem_alloc : memref<!tpu.dma_semaphore, #tpu.memory_space<semaphore_mem>>
        %dma_start3A_26 = tpu.memref_slice %arg3[%add3A_13] : memref<160000xi32, #tpu.memory_space<hbm>> -> memref<72xi32, #tpu.memory_space<hbm>>
        %dma_start3A_27 = tpu.memref_slice %arg3[%add3A_13] : memref<160000xi32, #tpu.memory_space<hbm>> -> memref<72xi32, #tpu.memory_space<hbm>>
        tpu.enqueue_dma source(%dma_start3A_27 : memref<72xi32, #tpu.memory_space<hbm>>) target(%arg6 : memref<72xi32, #tpu.memory_space<vmem>>) target_semaphore(%run_scoped3A : memref<!tpu.dma_semaphore, #tpu.memory_space<semaphore_mem>>)
        %dma_wait3A_28 = tpu.memref_slice %arg3[%add3A_13] : memref<160000xi32, #tpu.memory_space<hbm>> -> memref<72xi32, #tpu.memory_space<hbm>>
        %dma_wait3A_29 = tpu.memref_slice %arg3[%add3A_13] : memref<160000xi32, #tpu.memory_space<hbm>> -> memref<72xi32, #tpu.memory_space<hbm>>
        tpu.wait_dma2 semaphore(%run_scoped3A : memref<!tpu.dma_semaphore, #tpu.memory_space<semaphore_mem>>) src(%dma_wait3A_29 : memref<72xi32, #tpu.memory_space<hbm>>) dst(%arg6 : memref<72xi32, #tpu.memory_space<vmem>>)
        tpu.yield
      }) : () -> ()
      %dma_start3A = arith.constant 0 : i32
      %dma_start3A_14 = arith.constant 0 : i32
      %dma_start3A_15 = tpu.memref_slice %arg2[%dma_start3A, %dma_start3A_14] : memref<10000x128xf32, #tpu.memory_space<hbm>> -> memref<10000x128xf32, #tpu.memory_space<hbm>>
      tpu.enqueue_indirect_dma source(%dma_start3A_15 : memref<10000x128xf32, #tpu.memory_space<hbm>>) target(%arg7 : memref<128x128xf32, #tpu.memory_space<vmem>>) offsets(%arg5 : memref<128xi32, #tpu.memory_space<vmem>>) semaphore(%arg9 : memref<!tpu.dma_semaphore, #tpu.memory_space<semaphore_mem>>)
      %dma_start3A_16 = arith.constant 0 : i32
      %dma_start3A_17 = arith.constant 0 : i32
      %dma_start3A_18 = tpu.memref_slice %arg2[%dma_start3A_16, %dma_start3A_17] : memref<10000x128xf32, #tpu.memory_space<hbm>> -> memref<10000x128xf32, #tpu.memory_space<hbm>>
      tpu.enqueue_indirect_dma source(%dma_start3A_18 : memref<10000x128xf32, #tpu.memory_space<hbm>>) target(%arg8 : memref<72x128xf32, #tpu.memory_space<vmem>>) offsets(%arg6 : memref<72xi32, #tpu.memory_space<vmem>>) semaphore(%arg9 : memref<!tpu.dma_semaphore, #tpu.memory_space<semaphore_mem>>)
      %dma_wait3A = arith.constant 0 : i32
      %dma_wait3A_19 = arith.constant 0 : i32
      %dma_wait3A_20 = tpu.memref_slice %arg2[%dma_wait3A, %dma_wait3A_19] : memref<10000x128xf32, #tpu.memory_space<hbm>> -> memref<10000x128xf32, #tpu.memory_space<hbm>>
      tpu.wait_indirect_dma semaphore(%arg9 : memref<!tpu.dma_semaphore, #tpu.memory_space<semaphore_mem>>) src(%dma_wait3A_20 : memref<10000x128xf32, #tpu.memory_space<hbm>>) dst(%arg7 : memref<128x128xf32, #tpu.memory_space<vmem>>)
      %dma_wait3A_21 = arith.constant 0 : i32
      %dma_wait3A_22 = arith.constant 0 : i32
      %dma_wait3A_23 = tpu.memref_slice %arg2[%dma_wait3A_21, %dma_wait3A_22] : memref<10000x128xf32, #tpu.memory_space<hbm>> -> memref<10000x128xf32, #tpu.memory_space<hbm>>
      tpu.wait_indirect_dma semaphore(%arg9 : memref<!tpu.dma_semaphore, #tpu.memory_space<semaphore_mem>>) src(%dma_wait3A_23 : memref<10000x128xf32, #tpu.memory_space<hbm>>) dst(%arg8 : memref<72x128xf32, #tpu.memory_space<vmem>>)
      "tpu.region"() ({
        %run_scoped3A = tpu.sem_alloc : memref<!tpu.dma_semaphore, #tpu.memory_space<semaphore_mem>>
        %dma_start3A_26 = arith.constant 0 : i32
        %dma_start3A_27 = tpu.memref_slice %arg4[%add3A_11, %dma_start3A_26] : memref<160000x128xf32, #tpu.memory_space<hbm>> -> memref<128x128xf32, #tpu.memory_space<hbm>>
        %dma_start3A_28 = arith.constant 0 : i32
        %dma_start3A_29 = tpu.memref_slice %arg4[%add3A_11, %dma_start3A_28] : memref<160000x128xf32, #tpu.memory_space<hbm>> -> memref<128x128xf32, #tpu.memory_space<hbm>>
        tpu.enqueue_dma source(%arg7 : memref<128x128xf32, #tpu.memory_space<vmem>>) target(%dma_start3A_29 : memref<128x128xf32, #tpu.memory_space<hbm>>) target_semaphore(%run_scoped3A : memref<!tpu.dma_semaphore, #tpu.memory_space<semaphore_mem>>)
        %dma_wait3A_30 = arith.constant 0 : i32
        %dma_wait3A_31 = tpu.memref_slice %arg4[%add3A_11, %dma_wait3A_30] : memref<160000x128xf32, #tpu.memory_space<hbm>> -> memref<128x128xf32, #tpu.memory_space<hbm>>
        %dma_wait3A_32 = arith.constant 0 : i32
        %dma_wait3A_33 = tpu.memref_slice %arg4[%add3A_11, %dma_wait3A_32] : memref<160000x128xf32, #tpu.memory_space<hbm>> -> memref<128x128xf32, #tpu.memory_space<hbm>>
        tpu.wait_dma2 semaphore(%run_scoped3A : memref<!tpu.dma_semaphore, #tpu.memory_space<semaphore_mem>>) src(%arg7 : memref<128x128xf32, #tpu.memory_space<vmem>>) dst(%dma_wait3A_33 : memref<128x128xf32, #tpu.memory_space<hbm>>)
        tpu.yield
      }) : () -> ()
      %add3A_24 = arith.constant 128 : i32
      %add3A_25 = arith.addi %add3A_11, %add3A_24 : i32
      "tpu.region"() ({
        %run_scoped3A = tpu.sem_alloc : memref<!tpu.dma_semaphore, #tpu.memory_space<semaphore_mem>>
        %dma_start3A_26 = arith.constant 0 : i32
        %dma_start3A_27 = tpu.memref_slice %arg4[%add3A_25, %dma_start3A_26] : memref<160000x128xf32, #tpu.memory_space<hbm>> -> memref<72x128xf32, #tpu.memory_space<hbm>>
        %dma_start3A_28 = arith.constant 0 : i32
        %dma_start3A_29 = tpu.memref_slice %arg4[%add3A_25, %dma_start3A_28] : memref<160000x128xf32, #tpu.memory_space<hbm>> -> memref<72x128xf32, #tpu.memory_space<hbm>>
        tpu.enqueue_dma source(%arg8 : memref<72x128xf32, #tpu.memory_space<vmem>>) target(%dma_start3A_29 : memref<72x128xf32, #tpu.memory_space<hbm>>) target_semaphore(%run_scoped3A : memref<!tpu.dma_semaphore, #tpu.memory_space<semaphore_mem>>)
        %dma_wait3A_30 = arith.constant 0 : i32
        %dma_wait3A_31 = tpu.memref_slice %arg4[%add3A_25, %dma_wait3A_30] : memref<160000x128xf32, #tpu.memory_space<hbm>> -> memref<72x128xf32, #tpu.memory_space<hbm>>
        %dma_wait3A_32 = arith.constant 0 : i32
        %dma_wait3A_33 = tpu.memref_slice %arg4[%add3A_25, %dma_wait3A_32] : memref<160000x128xf32, #tpu.memory_space<hbm>> -> memref<72x128xf32, #tpu.memory_space<hbm>>
        tpu.wait_dma2 semaphore(%run_scoped3A : memref<!tpu.dma_semaphore, #tpu.memory_space<semaphore_mem>>) src(%arg8 : memref<72x128xf32, #tpu.memory_space<vmem>>) dst(%dma_wait3A_33 : memref<72x128xf32, #tpu.memory_space<hbm>>)
        tpu.yield
      }) : () -> ()
    }
    %scan3A_7 = arith.constant 25 : i32
    return
  }
}

#map = affine_map<(d0, d1) -> (0, 0)>
#map1 = affine_map<(d0, d1) -> (0)>
module attributes {stable_mosaic.version = 14 : i64} {
  func.func @sc_scatter(%arg0: i32, %arg1: i32, %arg2: memref<160000x8xf32, #tpu.memory_space<hbm>>, %arg3: memref<160000xi32, #tpu.memory_space<hbm>>, %arg4: memref<640x8xf32, #tpu.memory_space<hbm>>, %arg5: memref<20480x8xf32, #tpu.memory_space<hbm>>, %arg6: memref<128xi32, #tpu.memory_space<vmem>>, %arg7: memref<72xi32, #tpu.memory_space<vmem>>, %arg8: memref<128x8xf32, #tpu.memory_space<vmem>>, %arg9: memref<72x8xf32, #tpu.memory_space<vmem>>, %arg10: memref<10240x8xf32, #tpu.memory_space<vmem_shared>>) attributes {dimension_semantics = [#tpu.dimension_semantics<core_parallel>, #tpu.dimension_semantics<subcore_parallel>], iteration_bounds = array<i64: 2, 16>, scalar_prefetch = 0 : i64, scratch_operands = 5 : i64, tpu.core_type = #tpu.core_type<sc_vector_subcore>, window_params = [{transform_indices = #map}, {transform_indices = #map1}, {transform_indices = #map}, {transform_indices = #map}]} {
    %mul3A = arith.constant 80000 : i32
    %mul3A_0 = arith.muli %arg0, %mul3A : i32
    %mul3A_1 = arith.constant 5000 : i32
    %mul3A_2 = arith.muli %arg1, %mul3A_1 : i32
    %add3A = arith.addi %mul3A_0, %mul3A_2 : i32
    %mul3A_3 = arith.constant 640 : i32
    %mul3A_4 = arith.muli %arg1, %mul3A_3 : i32
    "tpu.region"() ({
      %run_scoped3A = tpu.sem_alloc : memref<!tpu.dma_semaphore, #tpu.memory_space<semaphore_mem>>
      %dma_start3A = arith.constant 0 : i32
      %dma_start3A_18 = tpu.memref_slice %arg10[%mul3A_4, %dma_start3A] : memref<10240x8xf32, #tpu.memory_space<vmem_shared>> -> memref<640x8xf32, #tpu.memory_space<vmem_shared>>
      tpu.enqueue_dma source(%arg4 : memref<640x8xf32, #tpu.memory_space<hbm>>) target(%dma_start3A_18 : memref<640x8xf32, #tpu.memory_space<vmem_shared>>) target_semaphore(%run_scoped3A : memref<!tpu.dma_semaphore, #tpu.memory_space<semaphore_mem>>)
      %dma_wait3A = arith.constant 0 : i32
      %dma_wait3A_19 = tpu.memref_slice %arg10[%mul3A_4, %dma_wait3A] : memref<10240x8xf32, #tpu.memory_space<vmem_shared>> -> memref<640x8xf32, #tpu.memory_space<vmem_shared>>
      tpu.wait_dma2 semaphore(%run_scoped3A : memref<!tpu.dma_semaphore, #tpu.memory_space<semaphore_mem>>) src(%arg4 : memref<640x8xf32, #tpu.memory_space<hbm>>) dst(%dma_wait3A_19 : memref<640x8xf32, #tpu.memory_space<vmem_shared>>)
      tpu.yield
    }) : () -> ()
    %barrier3A = arith.constant 0 : index
    tpu.barrier barrier_id(%barrier3A)
    %scan3A = arith.constant 0 : i32
    %scan3A_5 = arith.constant 0 : i32
    %scan3A_6 = arith.constant 25 : i32
    %scan3A_7 = arith.addi %scan3A_5, %scan3A_6 : i32
    %scan3A_8 = arith.constant 1 : i32
    scf.for %scan3A_18 = %scan3A_5 to %scan3A_7 step %scan3A_8  : i32 {
      %mul3A_19 = arith.constant 200 : i32
      %mul3A_20 = arith.muli %scan3A_18, %mul3A_19 : i32
      %add3A_21 = arith.addi %add3A, %mul3A_20 : i32
      "tpu.region"() ({
        %run_scoped3A = tpu.sem_alloc : memref<!tpu.dma_semaphore, #tpu.memory_space<semaphore_mem>>
        %dma_start3A = tpu.memref_slice %arg3[%add3A_21] : memref<160000xi32, #tpu.memory_space<hbm>> -> memref<128xi32, #tpu.memory_space<hbm>>
        %dma_start3A_26 = tpu.memref_slice %arg3[%add3A_21] : memref<160000xi32, #tpu.memory_space<hbm>> -> memref<128xi32, #tpu.memory_space<hbm>>
        tpu.enqueue_dma source(%dma_start3A_26 : memref<128xi32, #tpu.memory_space<hbm>>) target(%arg6 : memref<128xi32, #tpu.memory_space<vmem>>) target_semaphore(%run_scoped3A : memref<!tpu.dma_semaphore, #tpu.memory_space<semaphore_mem>>)
        %dma_wait3A = tpu.memref_slice %arg3[%add3A_21] : memref<160000xi32, #tpu.memory_space<hbm>> -> memref<128xi32, #tpu.memory_space<hbm>>
        %dma_wait3A_27 = tpu.memref_slice %arg3[%add3A_21] : memref<160000xi32, #tpu.memory_space<hbm>> -> memref<128xi32, #tpu.memory_space<hbm>>
        tpu.wait_dma2 semaphore(%run_scoped3A : memref<!tpu.dma_semaphore, #tpu.memory_space<semaphore_mem>>) src(%dma_wait3A_27 : memref<128xi32, #tpu.memory_space<hbm>>) dst(%arg6 : memref<128xi32, #tpu.memory_space<vmem>>)
        tpu.yield
      }) : () -> ()
      %add3A_22 = arith.constant 128 : i32
      %add3A_23 = arith.addi %add3A_21, %add3A_22 : i32
      "tpu.region"() ({
        %run_scoped3A = tpu.sem_alloc : memref<!tpu.dma_semaphore, #tpu.memory_space<semaphore_mem>>
        %dma_start3A = tpu.memref_slice %arg3[%add3A_23] : memref<160000xi32, #tpu.memory_space<hbm>> -> memref<72xi32, #tpu.memory_space<hbm>>
        %dma_start3A_26 = tpu.memref_slice %arg3[%add3A_23] : memref<160000xi32, #tpu.memory_space<hbm>> -> memref<72xi32, #tpu.memory_space<hbm>>
        tpu.enqueue_dma source(%dma_start3A_26 : memref<72xi32, #tpu.memory_space<hbm>>) target(%arg7 : memref<72xi32, #tpu.memory_space<vmem>>) target_semaphore(%run_scoped3A : memref<!tpu.dma_semaphore, #tpu.memory_space<semaphore_mem>>)
        %dma_wait3A = tpu.memref_slice %arg3[%add3A_23] : memref<160000xi32, #tpu.memory_space<hbm>> -> memref<72xi32, #tpu.memory_space<hbm>>
        %dma_wait3A_27 = tpu.memref_slice %arg3[%add3A_23] : memref<160000xi32, #tpu.memory_space<hbm>> -> memref<72xi32, #tpu.memory_space<hbm>>
        tpu.wait_dma2 semaphore(%run_scoped3A : memref<!tpu.dma_semaphore, #tpu.memory_space<semaphore_mem>>) src(%dma_wait3A_27 : memref<72xi32, #tpu.memory_space<hbm>>) dst(%arg7 : memref<72xi32, #tpu.memory_space<vmem>>)
        tpu.yield
      }) : () -> ()
      "tpu.region"() ({
        %run_scoped3A = tpu.sem_alloc : memref<!tpu.dma_semaphore, #tpu.memory_space<semaphore_mem>>
        %dma_start3A = arith.constant 0 : i32
        %dma_start3A_26 = tpu.memref_slice %arg2[%add3A_21, %dma_start3A] : memref<160000x8xf32, #tpu.memory_space<hbm>> -> memref<128x8xf32, #tpu.memory_space<hbm>>
        %dma_start3A_27 = arith.constant 0 : i32
        %dma_start3A_28 = tpu.memref_slice %arg2[%add3A_21, %dma_start3A_27] : memref<160000x8xf32, #tpu.memory_space<hbm>> -> memref<128x8xf32, #tpu.memory_space<hbm>>
        tpu.enqueue_dma source(%dma_start3A_28 : memref<128x8xf32, #tpu.memory_space<hbm>>) target(%arg8 : memref<128x8xf32, #tpu.memory_space<vmem>>) target_semaphore(%run_scoped3A : memref<!tpu.dma_semaphore, #tpu.memory_space<semaphore_mem>>)
        %dma_wait3A = arith.constant 0 : i32
        %dma_wait3A_29 = tpu.memref_slice %arg2[%add3A_21, %dma_wait3A] : memref<160000x8xf32, #tpu.memory_space<hbm>> -> memref<128x8xf32, #tpu.memory_space<hbm>>
        %dma_wait3A_30 = arith.constant 0 : i32
        %dma_wait3A_31 = tpu.memref_slice %arg2[%add3A_21, %dma_wait3A_30] : memref<160000x8xf32, #tpu.memory_space<hbm>> -> memref<128x8xf32, #tpu.memory_space<hbm>>
        tpu.wait_dma2 semaphore(%run_scoped3A : memref<!tpu.dma_semaphore, #tpu.memory_space<semaphore_mem>>) src(%dma_wait3A_31 : memref<128x8xf32, #tpu.memory_space<hbm>>) dst(%arg8 : memref<128x8xf32, #tpu.memory_space<vmem>>)
        tpu.yield
      }) : () -> ()
      %add3A_24 = arith.constant 128 : i32
      %add3A_25 = arith.addi %add3A_21, %add3A_24 : i32
      "tpu.region"() ({
        %run_scoped3A = tpu.sem_alloc : memref<!tpu.dma_semaphore, #tpu.memory_space<semaphore_mem>>
        %dma_start3A = arith.constant 0 : i32
        %dma_start3A_26 = tpu.memref_slice %arg2[%add3A_25, %dma_start3A] : memref<160000x8xf32, #tpu.memory_space<hbm>> -> memref<72x8xf32, #tpu.memory_space<hbm>>
        %dma_start3A_27 = arith.constant 0 : i32
        %dma_start3A_28 = tpu.memref_slice %arg2[%add3A_25, %dma_start3A_27] : memref<160000x8xf32, #tpu.memory_space<hbm>> -> memref<72x8xf32, #tpu.memory_space<hbm>>
        tpu.enqueue_dma source(%dma_start3A_28 : memref<72x8xf32, #tpu.memory_space<hbm>>) target(%arg9 : memref<72x8xf32, #tpu.memory_space<vmem>>) target_semaphore(%run_scoped3A : memref<!tpu.dma_semaphore, #tpu.memory_space<semaphore_mem>>)
        %dma_wait3A = arith.constant 0 : i32
        %dma_wait3A_29 = tpu.memref_slice %arg2[%add3A_25, %dma_wait3A] : memref<160000x8xf32, #tpu.memory_space<hbm>> -> memref<72x8xf32, #tpu.memory_space<hbm>>
        %dma_wait3A_30 = arith.constant 0 : i32
        %dma_wait3A_31 = tpu.memref_slice %arg2[%add3A_25, %dma_wait3A_30] : memref<160000x8xf32, #tpu.memory_space<hbm>> -> memref<72x8xf32, #tpu.memory_space<hbm>>
        tpu.wait_dma2 semaphore(%run_scoped3A : memref<!tpu.dma_semaphore, #tpu.memory_space<semaphore_mem>>) src(%dma_wait3A_31 : memref<72x8xf32, #tpu.memory_space<hbm>>) dst(%arg9 : memref<72x8xf32, #tpu.memory_space<vmem>>)
        tpu.yield
      }) : () -> ()
      "tpu.region"() ({
        %run_scoped3A = tpu.sem_alloc : memref<!tpu.dma_semaphore, #tpu.memory_space<semaphore_mem>>
        %dma_start3A = arith.constant 0 : i32
        %dma_start3A_26 = arith.constant 0 : i32
        %dma_start3A_27 = tpu.memref_slice %arg10[%dma_start3A, %dma_start3A_26] : memref<10240x8xf32, #tpu.memory_space<vmem_shared>> -> memref<10240x8xf32, #tpu.memory_space<vmem_shared>>
        tpu.enqueue_indirect_dma source(%arg8 : memref<128x8xf32, #tpu.memory_space<vmem>>) target(%dma_start3A_27 : memref<10240x8xf32, #tpu.memory_space<vmem_shared>>) offsets(%arg6 : memref<128xi32, #tpu.memory_space<vmem>>) semaphore(%run_scoped3A : memref<!tpu.dma_semaphore, #tpu.memory_space<semaphore_mem>>) {add = true}
        %dma_wait3A = arith.constant 0 : i32
        %dma_wait3A_28 = arith.constant 0 : i32
        %dma_wait3A_29 = tpu.memref_slice %arg10[%dma_wait3A, %dma_wait3A_28] : memref<10240x8xf32, #tpu.memory_space<vmem_shared>> -> memref<10240x8xf32, #tpu.memory_space<vmem_shared>>
        tpu.wait_indirect_dma semaphore(%run_scoped3A : memref<!tpu.dma_semaphore, #tpu.memory_space<semaphore_mem>>) src(%arg8 : memref<128x8xf32, #tpu.memory_space<vmem>>) dst(%dma_wait3A_29 : memref<10240x8xf32, #tpu.memory_space<vmem_shared>>)
        tpu.yield
      }) : () -> ()
      "tpu.region"() ({
        %run_scoped3A = tpu.sem_alloc : memref<!tpu.dma_semaphore, #tpu.memory_space<semaphore_mem>>
        %dma_start3A = arith.constant 0 : i32
        %dma_start3A_26 = arith.constant 0 : i32
        %dma_start3A_27 = tpu.memref_slice %arg10[%dma_start3A, %dma_start3A_26] : memref<10240x8xf32, #tpu.memory_space<vmem_shared>> -> memref<10240x8xf32, #tpu.memory_space<vmem_shared>>
        tpu.enqueue_indirect_dma source(%arg9 : memref<72x8xf32, #tpu.memory_space<vmem>>) target(%dma_start3A_27 : memref<10240x8xf32, #tpu.memory_space<vmem_shared>>) offsets(%arg7 : memref<72xi32, #tpu.memory_space<vmem>>) semaphore(%run_scoped3A : memref<!tpu.dma_semaphore, #tpu.memory_space<semaphore_mem>>) {add = true}
        %dma_wait3A = arith.constant 0 : i32
        %dma_wait3A_28 = arith.constant 0 : i32
        %dma_wait3A_29 = tpu.memref_slice %arg10[%dma_wait3A, %dma_wait3A_28] : memref<10240x8xf32, #tpu.memory_space<vmem_shared>> -> memref<10240x8xf32, #tpu.memory_space<vmem_shared>>
        tpu.wait_indirect_dma semaphore(%run_scoped3A : memref<!tpu.dma_semaphore, #tpu.memory_space<semaphore_mem>>) src(%arg9 : memref<72x8xf32, #tpu.memory_space<vmem>>) dst(%dma_wait3A_29 : memref<10240x8xf32, #tpu.memory_space<vmem_shared>>)
        tpu.yield
      }) : () -> ()
    }
    %scan3A_9 = arith.constant 25 : i32
    %barrier3A_10 = arith.constant 0 : index
    tpu.barrier barrier_id(%barrier3A_10)
    %mul3A_11 = arith.constant 640 : i32
    %mul3A_12 = arith.muli %arg1, %mul3A_11 : i32
    %mul3A_13 = arith.constant 10240 : i32
    %mul3A_14 = arith.muli %arg0, %mul3A_13 : i32
    %mul3A_15 = arith.constant 640 : i32
    %mul3A_16 = arith.muli %arg1, %mul3A_15 : i32
    %add3A_17 = arith.addi %mul3A_14, %mul3A_16 : i32
    "tpu.region"() ({
      %run_scoped3A = tpu.sem_alloc : memref<!tpu.dma_semaphore, #tpu.memory_space<semaphore_mem>>
      %dma_start3A = arith.constant 0 : i32
      %dma_start3A_18 = tpu.memref_slice %arg5[%add3A_17, %dma_start3A] : memref<20480x8xf32, #tpu.memory_space<hbm>> -> memref<640x8xf32, #tpu.memory_space<hbm>>
      %dma_start3A_19 = arith.constant 0 : i32
      %dma_start3A_20 = tpu.memref_slice %arg10[%mul3A_12, %dma_start3A_19] : memref<10240x8xf32, #tpu.memory_space<vmem_shared>> -> memref<640x8xf32, #tpu.memory_space<vmem_shared>>
      tpu.enqueue_dma source(%dma_start3A_20 : memref<640x8xf32, #tpu.memory_space<vmem_shared>>) target(%dma_start3A_18 : memref<640x8xf32, #tpu.memory_space<hbm>>) target_semaphore(%run_scoped3A : memref<!tpu.dma_semaphore, #tpu.memory_space<semaphore_mem>>)
      %dma_wait3A = arith.constant 0 : i32
      %dma_wait3A_21 = tpu.memref_slice %arg5[%add3A_17, %dma_wait3A] : memref<20480x8xf32, #tpu.memory_space<hbm>> -> memref<640x8xf32, #tpu.memory_space<hbm>>
      %dma_wait3A_22 = arith.constant 0 : i32
      %dma_wait3A_23 = tpu.memref_slice %arg10[%mul3A_12, %dma_wait3A_22] : memref<10240x8xf32, #tpu.memory_space<vmem_shared>> -> memref<640x8xf32, #tpu.memory_space<vmem_shared>>
      tpu.wait_dma2 semaphore(%run_scoped3A : memref<!tpu.dma_semaphore, #tpu.memory_space<semaphore_mem>>) src(%dma_wait3A_23 : memref<640x8xf32, #tpu.memory_space<vmem_shared>>) dst(%dma_wait3A_21 : memref<640x8xf32, #tpu.memory_space<hbm>>)
      tpu.yield
    }) : () -> ()
    return
  }
}

module attributes {stable_mosaic.version = 14 : i64} {
  func.func @_self_body(%arg0: i32, %arg1: memref<1000x128xf32, #tpu.memory_space<vmem>>, %arg2: memref<128x8xf32, #tpu.memory_space<vmem>>, %arg3: memref<8x8xf32, #tpu.memory_space<vmem>>, %arg4: memref<1000x8xf32, #tpu.memory_space<vmem>>, %arg5: memref<1x1x8xf32, #tpu.memory_space<vmem>>) attributes {dimension_semantics = [#tpu.dimension_semantics<arbitrary>], iteration_bounds = array<i64: 10>, scalar_prefetch = 0 : i64, scratch_operands = 0 : i64, tpu.core_type = #tpu.core_type<tc>, window_params = [{transform_indices = @transform_0, window_bounds = array<i64: 1000, 128>}, {pipeline_mode = #tpu.pipeline_mode<synchronous>, transform_indices = @transform_1, window_bounds = array<i64: 128, 8>}, {pipeline_mode = #tpu.pipeline_mode<synchronous>, transform_indices = @transform_2, window_bounds = array<i64: 8, 8>}, {transform_indices = @transform_3, window_bounds = array<i64: 1000, 8>}, {transform_indices = @transform_4, window_bounds = array<i64: 1, 1, 8>}]} {
    %get3A = arith.constant 0 : index
    %get3A_0 = arith.constant 0 : index
    %get3A_1 = vector.load %arg1[%get3A, %get3A_0] : memref<1000x128xf32, #tpu.memory_space<vmem>>, vector<1000x128xf32>
    %get3A_2 = arith.constant 0 : index
    %get3A_3 = arith.constant 0 : index
    %get3A_4 = vector.load %arg2[%get3A_2, %get3A_3] : memref<128x8xf32, #tpu.memory_space<vmem>>, vector<128x8xf32>
    %dot_general3A = arith.constant dense<0.000000e+00> : vector<1000x8xf32>
    %dot_general3A_5 = tpu.matmul %get3A_1, %get3A_4, %dot_general3A {dimension_numbers = #tpu.dot_dimension_numbers<[1], [0], [0], [1], [0, 0, 1, 1], [], []>, transpose_lhs_hint = false} : vector<1000x128xf32>, vector<128x8xf32>, vector<1000x8xf32> -> vector<1000x8xf32>
    %get3A_6 = arith.constant 0 : index
    %get3A_7 = arith.constant 0 : index
    %get3A_8 = vector.load %arg3[%get3A_6, %get3A_7] : memref<8x8xf32, #tpu.memory_space<vmem>>, vector<8x8xf32>
    %dot_general3A_9 = arith.constant dense<0.000000e+00> : vector<1000x8xf32>
    %dot_general3A_10 = tpu.matmul %dot_general3A_5, %get3A_8, %dot_general3A_9 {dimension_numbers = #tpu.dot_dimension_numbers<[1], [0], [0], [1], [0, 0, 1, 1], [], []>, transpose_lhs_hint = false} : vector<1000x8xf32>, vector<8x8xf32>, vector<1000x8xf32> -> vector<1000x8xf32>
    %iota3A = tpu.iota {dimensions = array<i32: 1>} : vector<1000x8xi32>
    %eq3A = arith.constant 4 : i32
    %eq3A_11 = vector.broadcast %eq3A : i32 to vector<1000x8xi32>
    %eq3A_12 = arith.cmpi eq, %iota3A, %eq3A_11 : vector<1000x8xi32>
    %ge3A = arith.constant 0.000000e+00 : f32
    %ge3A_13 = vector.broadcast %ge3A : f32 to vector<1000x8xf32>
    %ge3A_14 = arith.cmpf oge, %dot_general3A_10, %ge3A_13 : vector<1000x8xf32>
    %mul3A = arith.constant 2.000000e-01 : f32
    %mul3A_15 = vector.broadcast %mul3A : f32 to vector<1000x8xf32>
    %mul3A_16 = arith.mulf %mul3A_15, %dot_general3A_10 : vector<1000x8xf32>
    %select_n3A = arith.select %ge3A_14, %dot_general3A_10, %mul3A_16 : vector<1000x8xi1>, vector<1000x8xf32>
    %select_n3A_17 = arith.select %eq3A_12, %select_n3A, %dot_general3A_10 : vector<1000x8xi1>, vector<1000x8xf32>
    %swap3A = arith.constant 0 : index
    %swap3A_18 = arith.constant 0 : index
    %swap3A_19 = vector.load %arg4[%swap3A, %swap3A_18] : memref<1000x8xf32, #tpu.memory_space<vmem>>, vector<1000x8xf32>
    tpu.vector_store %arg4[%swap3A, %swap3A_18], %select_n3A_17 {strides = array<i32>} : memref<1000x8xf32, #tpu.memory_space<vmem>>, vector<1000x8xf32>,
    %slice3A = vector.extract_strided_slice %select_n3A_17 {offsets = [0, 4], sizes = [1000, 1], strides = [1, 1]} : vector<1000x8xf32> to vector<1000x1xf32>
    %squeeze3A = vector.shape_cast %slice3A : vector<1000x1xf32> to vector<1000xf32>
    %reduce_max3A = vector.shape_cast %squeeze3A : vector<1000xf32> to vector<1x1000xf32>
    %reduce_max3A_20 = arith.constant dense<0xFF800000> : vector<1xf32>
    %reduce_max3A_21 = vector.multi_reduction <maximumf>, %reduce_max3A, %reduce_max3A_20 [1] : vector<1x1000xf32> to vector<1xf32>
    %reduce_max3A_22 = vector.shape_cast %reduce_max3A_21 : vector<1xf32> to vector<1x1xf32>
    %reduce_max3A_23 = vector.extract %reduce_max3A_22[0, 0] : f32 from vector<1x1xf32>
    %broadcast_in_dim3A = vector.broadcast %reduce_max3A_23 : f32 to vector<1x1x8xf32>
    %swap3A_24 = arith.constant 0 : index
    %swap3A_25 = arith.constant 0 : index
    %swap3A_26 = arith.constant 0 : index
    %swap3A_27 = vector.load %arg5[%swap3A_24, %swap3A_25, %swap3A_26] : memref<1x1x8xf32, #tpu.memory_space<vmem>>, vector<1x1x8xf32>
    tpu.vector_store %arg5[%swap3A_24, %swap3A_25, %swap3A_26], %broadcast_in_dim3A {strides = array<i32>} : memref<1x1x8xf32, #tpu.memory_space<vmem>>, vector<1x1x8xf32>,
    return
  }
  func.func @transform_0(%arg0: i32) -> (i32, i32) {
    %c0_i32 = arith.constant 0 : i32
    %c0_i32_0 = arith.constant 0 : i32
    return %arg0, %c0_i32 : i32, i32
  }
  func.func @transform_1(%arg0: i32) -> (i32, i32) {
    %c0_i32 = arith.constant 0 : i32
    %c0_i32_0 = arith.constant 0 : i32
    %c0_i32_1 = arith.constant 0 : i32
    return %c0_i32, %c0_i32_0 : i32, i32
  }
  func.func @transform_2(%arg0: i32) -> (i32, i32) {
    %c0_i32 = arith.constant 0 : i32
    %c0_i32_0 = arith.constant 0 : i32
    %c0_i32_1 = arith.constant 0 : i32
    return %c0_i32, %c0_i32_0 : i32, i32
  }
  func.func @transform_3(%arg0: i32) -> (i32, i32) {
    %c0_i32 = arith.constant 0 : i32
    %c0_i32_0 = arith.constant 0 : i32
    return %arg0, %c0_i32 : i32, i32
  }
  func.func @transform_4(%arg0: i32) -> (i32, i32, i32) {
    %c0_i32 = arith.constant 0 : i32
    %c0_i32_0 = arith.constant 0 : i32
    %c0_i32_1 = arith.constant 0 : i32
    return %arg0, %c0_i32, %c0_i32_0 : i32, i32, i32
  }
}

module attributes {stable_mosaic.version = 14 : i64} {
  func.func @_edge_body(%arg0: i32, %arg1: memref<1000x128xf32, #tpu.memory_space<vmem>>, %arg2: memref<1000x16xf32, #tpu.memory_space<vmem>>, %arg3: memref<16x64xf32, #tpu.memory_space<vmem>>, %arg4: memref<16x64xf32, #tpu.memory_space<vmem>>, %arg5: memref<8x64xf32, #tpu.memory_space<vmem>>, %arg6: memref<8x64xf32, #tpu.memory_space<vmem>>, %arg7: memref<128x512xbf16, #tpu.memory_space<vmem>>, %arg8: memref<128x8xbf16, #tpu.memory_space<vmem>>, %arg9: memref<512x8xf32, #tpu.memory_space<vmem>>, %arg10: memref<8x8xf32, #tpu.memory_space<vmem>>, %arg11: memref<1000x8xf32, #tpu.memory_space<vmem>>, %arg12: memref<1x1x8xf32, #tpu.memory_space<vmem>>) attributes {dimension_semantics = [#tpu.dimension_semantics<arbitrary>], iteration_bounds = array<i64: 160>, scalar_prefetch = 0 : i64, scratch_operands = 0 : i64, tpu.core_type = #tpu.core_type<tc>, window_params = [{transform_indices = @transform_0, window_bounds = array<i64: 1000, 128>}, {transform_indices = @transform_1, window_bounds = array<i64: 1000, 16>}, {pipeline_mode = #tpu.pipeline_mode<synchronous>, transform_indices = @transform_2, window_bounds = array<i64: 16, 64>}, {pipeline_mode = #tpu.pipeline_mode<synchronous>, transform_indices = @transform_3, window_bounds = array<i64: 16, 64>}, {pipeline_mode = #tpu.pipeline_mode<synchronous>, transform_indices = @transform_4, window_bounds = array<i64: 8, 64>}, {pipeline_mode = #tpu.pipeline_mode<synchronous>, transform_indices = @transform_5, window_bounds = array<i64: 8, 64>}, {pipeline_mode = #tpu.pipeline_mode<synchronous>, transform_indices = @transform_6, window_bounds = array<i64: 128, 512>}, {pipeline_mode = #tpu.pipeline_mode<synchronous>, transform_indices = @transform_7, window_bounds = array<i64: 128, 8>}, {pipeline_mode = #tpu.pipeline_mode<synchronous>, transform_indices = @transform_8, window_bounds = array<i64: 512, 8>}, {pipeline_mode = #tpu.pipeline_mode<synchronous>, transform_indices = @transform_9, window_bounds = array<i64: 8, 8>}, {transform_indices = @transform_10, window_bounds = array<i64: 1000, 8>}, {transform_indices = @transform_11, window_bounds = array<i64: 1, 1, 8>}]} {
    %get3A = arith.constant 0 : index
    %get3A_0 = arith.constant 0 : index
    %get3A_1 = vector.load %arg2[%get3A, %get3A_0] : memref<1000x16xf32, #tpu.memory_space<vmem>>, vector<1000x16xf32>
    %get3A_2 = arith.constant 0 : index
    %get3A_3 = arith.constant 0 : index
    %get3A_4 = vector.load %arg3[%get3A_2, %get3A_3] : memref<16x64xf32, #tpu.memory_space<vmem>>, vector<16x64xf32>
    %dot_general3A = arith.constant dense<0.000000e+00> : vector<1000x64xf32>
    %dot_general3A_5 = tpu.matmul %get3A_1, %get3A_4, %dot_general3A {dimension_numbers = #tpu.dot_dimension_numbers<[1], [0], [0], [1], [0, 0, 1, 1], [], []>, transpose_lhs_hint = false} : vector<1000x16xf32>, vector<16x64xf32>, vector<1000x64xf32> -> vector<1000x64xf32>
    %get3A_6 = arith.constant 0 : index
    %get3A_7 = arith.constant 0 : index
    %get3A_8 = vector.load %arg5[%get3A_6, %get3A_7] : memref<8x64xf32, #tpu.memory_space<vmem>>, vector<1x64xf32>
    %add3A = vector.broadcast %get3A_8 : vector<1x64xf32> to vector<1000x64xf32>
    %add3A_9 = arith.addf %dot_general3A_5, %add3A : vector<1000x64xf32>
    %max3A = arith.constant 0.000000e+00 : f32
    %max3A_10 = vector.broadcast %max3A : f32 to vector<1000x64xf32>
    %max3A_11 = arith.maximumf %add3A_9, %max3A_10 : vector<1000x64xf32>
    %get3A_12 = arith.constant 0 : index
    %get3A_13 = arith.constant 0 : index
    %get3A_14 = vector.load %arg2[%get3A_12, %get3A_13] : memref<1000x16xf32, #tpu.memory_space<vmem>>, vector<1000x16xf32>
    %get3A_15 = arith.constant 0 : index
    %get3A_16 = arith.constant 0 : index
    %get3A_17 = vector.load %arg4[%get3A_15, %get3A_16] : memref<16x64xf32, #tpu.memory_space<vmem>>, vector<16x64xf32>
    %dot_general3A_18 = arith.constant dense<0.000000e+00> : vector<1000x64xf32>
    %dot_general3A_19 = tpu.matmul %get3A_14, %get3A_17, %dot_general3A_18 {dimension_numbers = #tpu.dot_dimension_numbers<[1], [0], [0], [1], [0, 0, 1, 1], [], []>, transpose_lhs_hint = false} : vector<1000x16xf32>, vector<16x64xf32>, vector<1000x64xf32> -> vector<1000x64xf32>
    %get3A_20 = arith.constant 0 : index
    %get3A_21 = arith.constant 0 : index
    %get3A_22 = vector.load %arg6[%get3A_20, %get3A_21] : memref<8x64xf32, #tpu.memory_space<vmem>>, vector<1x64xf32>
    %add3A_23 = vector.broadcast %get3A_22 : vector<1x64xf32> to vector<1000x64xf32>
    %add3A_24 = arith.addf %dot_general3A_19, %add3A_23 : vector<1000x64xf32>
    %max3A_25 = arith.constant 0.000000e+00 : f32
    %max3A_26 = vector.broadcast %max3A_25 : f32 to vector<1000x64xf32>
    %max3A_27 = arith.maximumf %add3A_24, %max3A_26 : vector<1000x64xf32>
    %concatenate3A = tpu.concatenate %max3A_11, %max3A_11, %max3A_11, %max3A_11, %max3A_27, %max3A_27, %max3A_27, %max3A_27 in 1 : vector<1000x64xf32>, vector<1000x64xf32>, vector<1000x64xf32>, vector<1000x64xf32>, vector<1000x64xf32>, vector<1000x64xf32>, vector<1000x64xf32>, vector<1000x64xf32> -> vector<1000x512xf32>
    %get3A_28 = arith.constant 0 : index
    %get3A_29 = arith.constant 0 : index
    %get3A_30 = vector.load %arg1[%get3A_28, %get3A_29] : memref<1000x128xf32, #tpu.memory_space<vmem>>, vector<1000x128xf32>
    %convert_element_type3A = arith.truncf %get3A_30 : vector<1000x128xf32> to vector<1000x128xbf16>
    %get3A_31 = arith.constant 0 : index
    %get3A_32 = arith.constant 0 : index
    %get3A_33 = vector.load %arg7[%get3A_31, %get3A_32] : memref<128x512xbf16, #tpu.memory_space<vmem>>, vector<128x512xbf16>
    %dot_general3A_34 = arith.constant dense<0.000000e+00> : vector<1000x512xf32>
    %dot_general3A_35 = tpu.matmul %convert_element_type3A, %get3A_33, %dot_general3A_34 {dimension_numbers = #tpu.dot_dimension_numbers<[1], [0], [0], [1], [0, 0, 1, 1], [], []>, transpose_lhs_hint = false} : vector<1000x128xbf16>, vector<128x512xbf16>, vector<1000x512xf32> -> vector<1000x512xf32>
    %mul3A = arith.mulf %dot_general3A_35, %concatenate3A : vector<1000x512xf32>
    %get3A_36 = arith.constant 0 : index
    %get3A_37 = arith.constant 0 : index
    %get3A_38 = vector.load %arg9[%get3A_36, %get3A_37] : memref<512x8xf32, #tpu.memory_space<vmem>>, vector<512x8xf32>
    %dot_general3A_39 = arith.constant dense<0.000000e+00> : vector<1000x8xf32>
    %dot_general3A_40 = tpu.matmul %mul3A, %get3A_38, %dot_general3A_39 {dimension_numbers = #tpu.dot_dimension_numbers<[1], [0], [0], [1], [0, 0, 1, 1], [], []>, transpose_lhs_hint = false} : vector<1000x512xf32>, vector<512x8xf32>, vector<1000x8xf32> -> vector<1000x8xf32>
    %get3A_41 = arith.constant 0 : index
    %get3A_42 = arith.constant 0 : index
    %get3A_43 = vector.load %arg8[%get3A_41, %get3A_42] : memref<128x8xbf16, #tpu.memory_space<vmem>>, vector<128x8xbf16>
    %dot_general3A_44 = arith.constant dense<0.000000e+00> : vector<1000x8xf32>
    %dot_general3A_45 = tpu.matmul %convert_element_type3A, %get3A_43, %dot_general3A_44 {dimension_numbers = #tpu.dot_dimension_numbers<[1], [0], [0], [1], [0, 0, 1, 1], [], []>, transpose_lhs_hint = false} : vector<1000x128xbf16>, vector<128x8xbf16>, vector<1000x8xf32> -> vector<1000x8xf32>
    %add3A_46 = arith.addf %dot_general3A_40, %dot_general3A_45 : vector<1000x8xf32>
    %get3A_47 = arith.constant 0 : index
    %get3A_48 = arith.constant 0 : index
    %get3A_49 = vector.load %arg10[%get3A_47, %get3A_48] : memref<8x8xf32, #tpu.memory_space<vmem>>, vector<8x8xf32>
    %dot_general3A_50 = arith.constant dense<0.000000e+00> : vector<1000x8xf32>
    %dot_general3A_51 = tpu.matmul %add3A_46, %get3A_49, %dot_general3A_50 {dimension_numbers = #tpu.dot_dimension_numbers<[1], [0], [0], [1], [0, 0, 1, 1], [], []>, transpose_lhs_hint = false} : vector<1000x8xf32>, vector<8x8xf32>, vector<1000x8xf32> -> vector<1000x8xf32>
    %iota3A = tpu.iota {dimensions = array<i32: 1>} : vector<1000x8xi32>
    %eq3A = arith.constant 4 : i32
    %eq3A_52 = vector.broadcast %eq3A : i32 to vector<1000x8xi32>
    %eq3A_53 = arith.cmpi eq, %iota3A, %eq3A_52 : vector<1000x8xi32>
    %ge3A = arith.constant 0.000000e+00 : f32
    %ge3A_54 = vector.broadcast %ge3A : f32 to vector<1000x8xf32>
    %ge3A_55 = arith.cmpf oge, %dot_general3A_51, %ge3A_54 : vector<1000x8xf32>
    %mul3A_56 = arith.constant 2.000000e-01 : f32
    %mul3A_57 = vector.broadcast %mul3A_56 : f32 to vector<1000x8xf32>
    %mul3A_58 = arith.mulf %mul3A_57, %dot_general3A_51 : vector<1000x8xf32>
    %select_n3A = arith.select %ge3A_55, %dot_general3A_51, %mul3A_58 : vector<1000x8xi1>, vector<1000x8xf32>
    %select_n3A_59 = arith.select %eq3A_53, %select_n3A, %dot_general3A_51 : vector<1000x8xi1>, vector<1000x8xf32>
    %swap3A = arith.constant 0 : index
    %swap3A_60 = arith.constant 0 : index
    %swap3A_61 = vector.load %arg11[%swap3A, %swap3A_60] : memref<1000x8xf32, #tpu.memory_space<vmem>>, vector<1000x8xf32>
    tpu.vector_store %arg11[%swap3A, %swap3A_60], %select_n3A_59 {strides = array<i32>} : memref<1000x8xf32, #tpu.memory_space<vmem>>, vector<1000x8xf32>,
    %slice3A = vector.extract_strided_slice %select_n3A_59 {offsets = [0, 4], sizes = [1000, 1], strides = [1, 1]} : vector<1000x8xf32> to vector<1000x1xf32>
    %squeeze3A = vector.shape_cast %slice3A : vector<1000x1xf32> to vector<1000xf32>
    %reduce_max3A = vector.shape_cast %squeeze3A : vector<1000xf32> to vector<1x1000xf32>
    %reduce_max3A_62 = arith.constant dense<0xFF800000> : vector<1xf32>
    %reduce_max3A_63 = vector.multi_reduction <maximumf>, %reduce_max3A, %reduce_max3A_62 [1] : vector<1x1000xf32> to vector<1xf32>
    %reduce_max3A_64 = vector.shape_cast %reduce_max3A_63 : vector<1xf32> to vector<1x1xf32>
    %reduce_max3A_65 = vector.extract %reduce_max3A_64[0, 0] : f32 from vector<1x1xf32>
    %broadcast_in_dim3A = vector.broadcast %reduce_max3A_65 : f32 to vector<1x1x8xf32>
    %swap3A_66 = arith.constant 0 : index
    %swap3A_67 = arith.constant 0 : index
    %swap3A_68 = arith.constant 0 : index
    %swap3A_69 = vector.load %arg12[%swap3A_66, %swap3A_67, %swap3A_68] : memref<1x1x8xf32, #tpu.memory_space<vmem>>, vector<1x1x8xf32>
    tpu.vector_store %arg12[%swap3A_66, %swap3A_67, %swap3A_68], %broadcast_in_dim3A {strides = array<i32>} : memref<1x1x8xf32, #tpu.memory_space<vmem>>, vector<1x1x8xf32>,
    return
  }
  func.func @transform_0(%arg0: i32) -> (i32, i32) {
    %c0_i32 = arith.constant 0 : i32
    %c0_i32_0 = arith.constant 0 : i32
    return %arg0, %c0_i32 : i32, i32
  }
  func.func @transform_1(%arg0: i32) -> (i32, i32) {
    %c0_i32 = arith.constant 0 : i32
    %c0_i32_0 = arith.constant 0 : i32
    return %arg0, %c0_i32 : i32, i32
  }
  func.func @transform_2(%arg0: i32) -> (i32, i32) {
    %c0_i32 = arith.constant 0 : i32
    %c0_i32_0 = arith.constant 0 : i32
    %c0_i32_1 = arith.constant 0 : i32
    return %c0_i32, %c0_i32_0 : i32, i32
  }
  func.func @transform_3(%arg0: i32) -> (i32, i32) {
    %c0_i32 = arith.constant 0 : i32
    %c0_i32_0 = arith.constant 0 : i32
    %c0_i32_1 = arith.constant 0 : i32
    return %c0_i32, %c0_i32_0 : i32, i32
  }
  func.func @transform_4(%arg0: i32) -> (i32, i32) {
    %c0_i32 = arith.constant 0 : i32
    %c0_i32_0 = arith.constant 0 : i32
    %c0_i32_1 = arith.constant 0 : i32
    return %c0_i32, %c0_i32_0 : i32, i32
  }
  func.func @transform_5(%arg0: i32) -> (i32, i32) {
    %c0_i32 = arith.constant 0 : i32
    %c0_i32_0 = arith.constant 0 : i32
    %c0_i32_1 = arith.constant 0 : i32
    return %c0_i32, %c0_i32_0 : i32, i32
  }
  func.func @transform_6(%arg0: i32) -> (i32, i32) {
    %c0_i32 = arith.constant 0 : i32
    %c0_i32_0 = arith.constant 0 : i32
    %c0_i32_1 = arith.constant 0 : i32
    return %c0_i32, %c0_i32_0 : i32, i32
  }
  func.func @transform_7(%arg0: i32) -> (i32, i32) {
    %c0_i32 = arith.constant 0 : i32
    %c0_i32_0 = arith.constant 0 : i32
    %c0_i32_1 = arith.constant 0 : i32
    return %c0_i32, %c0_i32_0 : i32, i32
  }
  func.func @transform_8(%arg0: i32) -> (i32, i32) {
    %c0_i32 = arith.constant 0 : i32
    %c0_i32_0 = arith.constant 0 : i32
    %c0_i32_1 = arith.constant 0 : i32
    return %c0_i32, %c0_i32_0 : i32, i32
  }
  func.func @transform_9(%arg0: i32) -> (i32, i32) {
    %c0_i32 = arith.constant 0 : i32
    %c0_i32_0 = arith.constant 0 : i32
    %c0_i32_1 = arith.constant 0 : i32
    return %c0_i32, %c0_i32_0 : i32, i32
  }
  func.func @transform_10(%arg0: i32) -> (i32, i32) {
    %c0_i32 = arith.constant 0 : i32
    %c0_i32_0 = arith.constant 0 : i32
    return %arg0, %c0_i32 : i32, i32
  }
  func.func @transform_11(%arg0: i32) -> (i32, i32, i32) {
    %c0_i32 = arith.constant 0 : i32
    %c0_i32_0 = arith.constant 0 : i32
    %c0_i32_1 = arith.constant 0 : i32
    return %arg0, %c0_i32, %c0_i32_0 : i32, i32, i32
  }
}

module attributes {stable_mosaic.version = 14 : i64} {
  func.func @_scale_body(%arg0: i32, %arg1: memref<2000x8xf32, #tpu.memory_space<vmem>>, %arg2: memref<8x8xf32, #tpu.memory_space<vmem>>, %arg3: memref<2000x8xf32, #tpu.memory_space<vmem>>) attributes {dimension_semantics = [#tpu.dimension_semantics<arbitrary>], iteration_bounds = array<i64: 80>, scalar_prefetch = 0 : i64, scratch_operands = 0 : i64, tpu.core_type = #tpu.core_type<tc>, window_params = [{transform_indices = @transform_0, window_bounds = array<i64: 2000, 8>}, {pipeline_mode = #tpu.pipeline_mode<synchronous>, transform_indices = @transform_1, window_bounds = array<i64: 8, 8>}, {transform_indices = @transform_2, window_bounds = array<i64: 2000, 8>}]} {
    %get3A = arith.constant 0 : index
    %get3A_0 = arith.constant 0 : index
    %get3A_1 = vector.load %arg1[%get3A, %get3A_0] : memref<2000x8xf32, #tpu.memory_space<vmem>>, vector<2000x8xf32>
    %slice3A = vector.extract_strided_slice %get3A_1 {offsets = [0, 4], sizes = [2000, 1], strides = [1, 1]} : vector<2000x8xf32> to vector<2000x1xf32>
    %get3A_2 = arith.constant 0 : index
    %get3A_3 = arith.constant 0 : index
    %get3A_4 = vector.load %arg2[%get3A_2, %get3A_3] : memref<8x8xf32, #tpu.memory_space<vmem>>, vector<1x1xf32>
    %sub3A = vector.broadcast %get3A_4 : vector<1x1xf32> to vector<2000x1xf32>
    %sub3A_5 = arith.subf %slice3A, %sub3A : vector<2000x1xf32>
    %exp3A = math.exp %sub3A_5 : vector<2000x1xf32>
    %iota3A = tpu.iota {dimensions = array<i32: 1>} : vector<2000x8xi32>
    %lt3A = arith.constant 4 : i32
    %lt3A_6 = vector.broadcast %lt3A : i32 to vector<2000x8xi32>
    %lt3A_7 = arith.cmpi slt, %iota3A, %lt3A_6 : vector<2000x8xi32>
    %eq3A = arith.constant 4 : i32
    %eq3A_8 = vector.broadcast %eq3A : i32 to vector<2000x8xi32>
    %eq3A_9 = arith.cmpi eq, %iota3A, %eq3A_8 : vector<2000x8xi32>
    %jit3A = arith.constant 1.000000e+00 : f32
    %jit3A_10 = arith.constant 0.000000e+00 : f32
    %broadcast_in_dim3A = vector.broadcast %jit3A : f32 to vector<2000x8xf32>
    %broadcast_in_dim3A_11 = vector.broadcast %jit3A_10 : f32 to vector<2000x8xf32>
    %select_n3A = arith.select %eq3A_9, %broadcast_in_dim3A, %broadcast_in_dim3A_11 : vector<2000x8xi1>, vector<2000x8xf32>
    %select_n3A_12 = arith.select %lt3A_7, %get3A_1, %select_n3A : vector<2000x8xi1>, vector<2000x8xf32>
    %mul3A = vector.broadcast %exp3A : vector<2000x1xf32> to vector<2000x8xf32>
    %mul3A_13 = arith.mulf %mul3A, %select_n3A_12 : vector<2000x8xf32>
    %swap3A = arith.constant 0 : index
    %swap3A_14 = arith.constant 0 : index
    %swap3A_15 = vector.load %arg3[%swap3A, %swap3A_14] : memref<2000x8xf32, #tpu.memory_space<vmem>>, vector<2000x8xf32>
    tpu.vector_store %arg3[%swap3A, %swap3A_14], %mul3A_13 {strides = array<i32>} : memref<2000x8xf32, #tpu.memory_space<vmem>>, vector<2000x8xf32>,
    return
  }
  func.func @transform_0(%arg0: i32) -> (i32, i32) {
    %c0_i32 = arith.constant 0 : i32
    %c0_i32_0 = arith.constant 0 : i32
    return %arg0, %c0_i32 : i32, i32
  }
  func.func @transform_1(%arg0: i32) -> (i32, i32) {
    %c0_i32 = arith.constant 0 : i32
    %c0_i32_0 = arith.constant 0 : i32
    %c0_i32_1 = arith.constant 0 : i32
    return %c0_i32, %c0_i32_0 : i32, i32
  }
  func.func @transform_2(%arg0: i32) -> (i32, i32) {
    %c0_i32 = arith.constant 0 : i32
    %c0_i32_0 = arith.constant 0 : i32
    return %arg0, %c0_i32 : i32, i32
  }
}

module attributes {stable_mosaic.version = 14 : i64} {
  func.func @_combine_body(%arg0: i32, %arg1: memref<1000x8xf32, #tpu.memory_space<vmem>>, %arg2: memref<1000x8xf32, #tpu.memory_space<vmem>>, %arg3: memref<1000x8xf32, #tpu.memory_space<vmem>>, %arg4: memref<8x8xf32, #tpu.memory_space<vmem>>, %arg5: memref<8x4xf32, #tpu.memory_space<vmem>>, %arg6: memref<1000x4xf32, #tpu.memory_space<vmem>>) attributes {dimension_semantics = [#tpu.dimension_semantics<arbitrary>], iteration_bounds = array<i64: 10>, scalar_prefetch = 0 : i64, scratch_operands = 0 : i64, tpu.core_type = #tpu.core_type<tc>, window_params = [{transform_indices = @transform_0, window_bounds = array<i64: 1000, 8>}, {transform_indices = @transform_1, window_bounds = array<i64: 1000, 8>}, {transform_indices = @transform_2, window_bounds = array<i64: 1000, 8>}, {pipeline_mode = #tpu.pipeline_mode<synchronous>, transform_indices = @transform_3, window_bounds = array<i64: 8, 8>}, {pipeline_mode = #tpu.pipeline_mode<synchronous>, transform_indices = @transform_4, window_bounds = array<i64: 8, 4>}, {transform_indices = @transform_5, window_bounds = array<i64: 1000, 4>}]} {
    %get3A = arith.constant 0 : index
    %get3A_0 = arith.constant 0 : index
    %get3A_1 = vector.load %arg1[%get3A, %get3A_0] : memref<1000x8xf32, #tpu.memory_space<vmem>>, vector<1000x8xf32>
    %get3A_2 = arith.constant 0 : index
    %get3A_3 = arith.constant 0 : index
    %get3A_4 = vector.load %arg2[%get3A_2, %get3A_3] : memref<1000x8xf32, #tpu.memory_space<vmem>>, vector<1000x8xf32>
    %add3A = arith.addf %get3A_1, %get3A_4 : vector<1000x8xf32>
    %get3A_5 = arith.constant 0 : index
    %get3A_6 = arith.constant 0 : index
    %get3A_7 = vector.load %arg3[%get3A_5, %get3A_6] : memref<1000x8xf32, #tpu.memory_space<vmem>>, vector<1000x8xf32>
    %slice3A = vector.extract_strided_slice %get3A_7 {offsets = [0, 4], sizes = [1000, 1], strides = [1, 1]} : vector<1000x8xf32> to vector<1000x1xf32>
    %get3A_8 = arith.constant 0 : index
    %get3A_9 = arith.constant 0 : index
    %get3A_10 = vector.load %arg4[%get3A_8, %get3A_9] : memref<8x8xf32, #tpu.memory_space<vmem>>, vector<1x1xf32>
    %sub3A = vector.broadcast %get3A_10 : vector<1x1xf32> to vector<1000x1xf32>
    %sub3A_11 = arith.subf %slice3A, %sub3A : vector<1000x1xf32>
    %exp3A = math.exp %sub3A_11 : vector<1000x1xf32>
    %slice3A_12 = vector.extract_strided_slice %add3A {offsets = [0, 0], sizes = [1000, 4], strides = [1, 1]} : vector<1000x8xf32> to vector<1000x4xf32>
    %slice3A_13 = vector.extract_strided_slice %get3A_7 {offsets = [0, 0], sizes = [1000, 4], strides = [1, 1]} : vector<1000x8xf32> to vector<1000x4xf32>
    %mul3A = vector.broadcast %exp3A : vector<1000x1xf32> to vector<1000x4xf32>
    %mul3A_14 = arith.mulf %mul3A, %slice3A_13 : vector<1000x4xf32>
    %add3A_15 = arith.addf %slice3A_12, %mul3A_14 : vector<1000x4xf32>
    %slice3A_16 = vector.extract_strided_slice %add3A {offsets = [0, 4], sizes = [1000, 1], strides = [1, 1]} : vector<1000x8xf32> to vector<1000x1xf32>
    %add3A_17 = arith.addf %slice3A_16, %exp3A : vector<1000x1xf32>
    %add3A_18 = arith.constant 1.000000e-16 : f32
    %add3A_19 = vector.broadcast %add3A_18 : f32 to vector<1000x1xf32>
    %add3A_20 = arith.addf %add3A_17, %add3A_19 : vector<1000x1xf32>
    %div3A = vector.broadcast %add3A_20 : vector<1000x1xf32> to vector<1000x4xf32>
    %div3A_21 = arith.divf %add3A_15, %div3A : vector<1000x4xf32>
    %get3A_22 = arith.constant 0 : index
    %get3A_23 = arith.constant 0 : index
    %get3A_24 = vector.load %arg5[%get3A_22, %get3A_23] : memref<8x4xf32, #tpu.memory_space<vmem>>, vector<1x4xf32>
    %add3A_25 = vector.broadcast %get3A_24 : vector<1x4xf32> to vector<1000x4xf32>
    %add3A_26 = arith.addf %div3A_21, %add3A_25 : vector<1000x4xf32>
    %swap3A = arith.constant 0 : index
    %swap3A_27 = arith.constant 0 : index
    %swap3A_28 = vector.load %arg6[%swap3A, %swap3A_27] : memref<1000x4xf32, #tpu.memory_space<vmem>>, vector<1000x4xf32>
    tpu.vector_store %arg6[%swap3A, %swap3A_27], %add3A_26 {strides = array<i32>} : memref<1000x4xf32, #tpu.memory_space<vmem>>, vector<1000x4xf32>,
    return
  }
  func.func @transform_0(%arg0: i32) -> (i32, i32) {
    %c0_i32 = arith.constant 0 : i32
    %c0_i32_0 = arith.constant 0 : i32
    return %arg0, %c0_i32 : i32, i32
  }
  func.func @transform_1(%arg0: i32) -> (i32, i32) {
    %c0_i32 = arith.constant 0 : i32
    %c0_i32_0 = arith.constant 0 : i32
    return %arg0, %c0_i32 : i32, i32
  }
  func.func @transform_2(%arg0: i32) -> (i32, i32) {
    %c0_i32 = arith.constant 0 : i32
    %c0_i32_0 = arith.constant 0 : i32
    return %arg0, %c0_i32 : i32, i32
  }
  func.func @transform_3(%arg0: i32) -> (i32, i32) {
    %c0_i32 = arith.constant 0 : i32
    %c0_i32_0 = arith.constant 0 : i32
    %c0_i32_1 = arith.constant 0 : i32
    return %c0_i32, %c0_i32_0 : i32, i32
  }
  func.func @transform_4(%arg0: i32) -> (i32, i32) {
    %c0_i32 = arith.constant 0 : i32
    %c0_i32_0 = arith.constant 0 : i32
    %c0_i32_1 = arith.constant 0 : i32
    return %c0_i32, %c0_i32_0 : i32, i32
  }
  func.func @transform_5(%arg0: i32) -> (i32, i32) {
    %c0_i32 = arith.constant 0 : i32
    %c0_i32_0 = arith.constant 0 : i32
    return %arg0, %c0_i32 : i32, i32
  }
}

</mosaic_0001>

<sc_bundles>
// kernel: kernel.11.cloned.1.call-start
scs
__scs_entry_jumppad:
0x0: {  	(pc) =	sbr.rel $0x88, $3  }
0x1: {  	(tag) =	ssettag $0x0;
	lr =	simm.s32 $0x1  }
0x2: {  	[smem:$0x3F93] =	sst lr;
	_ =	strace $0xD0000000  }
0x3: {  	_ = 	snop  }
0x4: {  	_ = 	snop  }
0x5: {  	_ = 	snop  }
0x6: {  	_ = 	snop  }
0x7: {  	_ = 	snop  }
__scs_overlays_trampoline_lowered:
0x8: {  	[smem:$0x3FA2] =	sst s0  }
0x9: {  	[smem:$0x3FA3] =	sst s1  }
0xa: {  	[smem:$0x3FA4] =	sst s2  }
0xb: {  	[smem:$0x3FA5] =	sst s3  }
0xc: {  	[smem:$0x3FA6] =	sst s4  }
0xd: {  	[smem:$0x3FA7] =	sst s5  }
0xe: {  	[smem:$0x3FA8] =	sst s6  }
0xf: {  	[smem:$0x3FA9] =	sst s7  }
0x10: {  	[smem:$0x3FAA] =	sst s8  }
0x11: {  	[smem:$0x3FAB] =	sst s9;
	s0 =	simm.s32 @!p0 $0x0  }
0x12: {  	s1 =	sld [smem:$0x3F91];
	s0 =	simm.s32 @p0 $0x1  }
0x13: {  	[smem:$0x3FAC] =	sst s0;
	s0 =	simm.s32 @!p1 $0x0  }
0x14: {  	s2 =	sld [smem:$0x3F90];
	s0 =	simm.s32 @p1 $0x1  }
0x15: {  	[smem:$0x3FAD] =	sst s0;
	s0 =	simm.s32 @!p2 $0x0  }
0x16: {  	s3 =	sld [smem:$0x3FDB];
	s0 =	simm.s32 @p2 $0x1  }
0x17: {  	s4 =	simm.s32 $0x1BF5;
	[smem:$0x3FAF] =	sst s0  }
0x18: {  	s0 =	sld [smem:$0x3F92];
	_ =	swait.ge [sflag:s4], $0x0  }
0x19: {  	s7 =	sld [smem:$0x3F93]  }
0x1a: {  	s8 =	sadd.s32 $0xFFFFE003, lr  }
0x1b: {  	s9 =	sadd.s32 $0xFFFFFEF7, lr;
	s5 =	simm.s32 $0xFFFFFFFF;
	p2 =	slt.u32 s8, $0xFFFFF086  }
0x1c: {  	p1 =	slt.u32 s9, $0xF7A;
	s5 =	simm.s32 @!p2 $0x0  }
0x1d: {  	s5 =	simm.s32 @p1 $0x1;
	p0 =	seq.s32 s7, s2  }
0x1e: {  	s7 =	smul.u32 @!p0 $0xF7A, s2;
	p2 =	seq.s32 @!p0 s5, $0x0  }
0x1f: {  	s9 =	smul.u32 $0xF7A, s1;
	s8 =	simm.s32 @!p0 $0x1BF5;
	p2 =	por !p2, p0  }
0x20: {  	[sflag:s8] =	ssyncset.s32 @!p0 $0xFFFFF086;
	s6 =	sadd.s32 @!p0 s3, s7;
	s7 =	simm.s32 @!p0 $0x108  }
0x21: {  	s3 =	sadd.s32 s3, s9;
	s6 =	sadd.s32 @!p0 $0x88, s6;
	s7 =	simm.s32 @p2 $0x1082  }
0x22: {  	[simem:s7], [sflag:s8] =	dma.local @!p0 [hbm:s6], $0xF7A  }
0x23: {  	s9 =	sor.u32 $0xD0000000, s2;
	s6 =	simm.s32 $0x108;
	_ =	swait.ge @!p0 [sflag:s8], $0x0  }
0x24: {  	s3 =	sadd.s32 $0x88, s3;
	s6 =	simm.s32 @!p1 $0x1082;
	[sflag:s4] =	ssyncset.s32 $0xFFFFF086  }
0x25: {  	[simem:s6], [sflag:s4] =	dma.local [hbm:s3], $0xF7A  }
0x26: {  	[smem:$0x3F93] =	sst s1;
	(tag) =	ssettag s2;
	_ =	strace s9  }
0x27: {  	s1 =	sld [smem:$0x3FA3]  }
0x28: {  	s2 =	sld [smem:$0x3FA4]  }
0x29: {  	s4 =	sld [smem:$0x3FA6]  }
0x2a: {  	p0 =	seq.s32 s5, $0x0;
	s5 =	sld [smem:$0x3FA7]  }
0x2b: {  	s6 =	sld [smem:$0x3FA8]  }
0x2c: {  	s7 =	sld [smem:$0x3FA9]  }
0x2d: {  	s3 =	simm.s32 $0x108;
	s8 =	sld [smem:$0x3FAA]  }
0x2e: {  	s3 =	simm.s32 @!p0 $0x1082;
	s9 =	sld [smem:$0x3FAB]  }
0x2f: {  	lr =	sadd.s32 s0, s3;
	s0 =	sld [smem:$0x3FA2]  }
0x30: {  	s3 =	sld [smem:$0x3FA5]  }
0x31: {  	[smem:$0x3FAE] =	sst s10  }
0x32: {  	s10 =	sld [smem:$0x3FAC];
	_ =	sdelay $0x3  }
0x33: {  	p0 =	seq.s32 s10, $0x1;
	s10 =	sld [smem:$0x3FAE];
	_ =	sdelay $0x3  }
0x34: {  	[smem:$0x3FAE] =	sst s10  }
0x35: {  	s10 =	sld [smem:$0x3FAD];
	_ =	sdelay $0x3  }
0x36: {  	p1 =	seq.s32 s10, $0x1;
	s10 =	sld [smem:$0x3FAE];
	_ =	sdelay $0x3  }
0x37: {  	[smem:$0x3FAE] =	sst s10  }
0x38: {  	s10 =	sld [smem:$0x3FAF]  }
0x39: {  	_ = 	snop;
	(pc) =	sbr.ind lr, $3  }
0x3a: {  	_ = 	snop  }
0x3b: {  	_ = 	snop  }
0x3c: {  	p2 =	seq.s32 s10, $0x1;
	s10 =	sld [smem:$0x3FAE]  }
0x3d: {  	_ =	shalt  }
0x3e: {  	_ =	shalt  }
0x3f: {  	_ =	shalt  }
0x40: {  	_ =	shalt  }
0x41: {  	_ =	shalt  }
0x42: {  	_ =	shalt  }
0x43: {  	_ =	shalt  }
0x44: {  	_ =	shalt  }
0x45: {  	_ =	shalt  }
0x46: {  	_ =	shalt  }
0x47: {  	_ =	shalt  }
0x48: {  	_ =	shalt  }
0x49: {  	_ =	shalt  }
0x4a: {  	_ =	shalt  }
0x4b: {  	_ =	shalt  }
0x4c: {  	_ =	shalt  }
0x4d: {  	_ =	shalt  }
0x4e: {  	_ =	shalt  }
0x4f: {  	_ =	shalt  }
0x50: {  	_ =	shalt  }
0x51: {  	_ =	shalt  }
0x52: {  	_ =	shalt  }
0x53: {  	_ =	shalt  }
0x54: {  	_ =	shalt  }
0x55: {  	_ =	shalt  }
0x56: {  	_ =	shalt  }
0x57: {  	_ =	shalt  }
0x58: {  	_ =	shalt  }
0x59: {  	_ =	shalt  }
0x5a: {  	_ =	shalt  }
0x5b: {  	_ =	shalt  }
0x5c: {  	_ =	shalt  }
0x5d: {  	_ =	shalt  }
0x5e: {  	_ =	shalt  }
0x5f: {  	_ =	shalt  }
0x60: {  	_ =	shalt  }
0x61: {  	_ =	shalt  }
0x62: {  	_ =	shalt  }
0x63: {  	_ =	shalt  }
0x64: {  	_ =	shalt  }
0x65: {  	_ =	shalt  }
0x66: {  	_ =	shalt  }
0x67: {  	_ =	shalt  }
0x68: {  	_ =	shalt  }
0x69: {  	_ =	shalt  }
0x6a: {  	_ =	shalt  }
0x6b: {  	_ =	shalt  }
0x6c: {  	_ =	shalt  }
0x6d: {  	_ =	shalt  }
0x6e: {  	_ =	shalt  }
0x6f: {  	_ =	shalt  }
0x70: {  	_ =	shalt  }
0x71: {  	_ =	shalt  }
0x72: {  	_ =	shalt  }
0x73: {  	_ =	shalt  }
0x74: {  	_ =	shalt  }
0x75: {  	_ =	shalt  }
0x76: {  	_ =	shalt  }
0x77: {  	_ =	shalt  }
0x78: {  	_ =	shalt  }
0x79: {  	_ =	shalt  }
0x7a: {  	_ =	shalt  }
0x7b: {  	_ =	shalt  }
0x7c: {  	_ =	shalt  }
0x7d: {  	_ =	shalt  }
0x7e: {  	_ =	shalt  }
0x7f: {  	_ =	shalt  }
0x80: {  	_ =	shalt  }
0x81: {  	_ =	shalt  }
0x82: {  	_ =	shalt  }
0x83: {  	_ =	shalt  }
0x84: {  	_ =	shalt  }
0x85: {  	_ =	shalt  }
0x86: {  	_ =	shalt  }
0x87: {  	_ =	shalt  }
.Lfunc_end0:
.L_simem_size_0:
called_computation.1_lowered:
.L_overlay_start_0:
0x88: {  	s2 =	sld [smem:$0x3FD9]  }
0x89: {  	s3 =	sld [smem:$0x3FFE];
	_ =	sdelay $0x1  }
0x8a: {  	s1 =	srdreg.scid  }
0x8b: {  	s0 =	sand.u32 $0x1, s1  }
0x8c: {  	s16 =	sshll.u32 s0, $0xA;
	s2 =	sadd.s32 s3, s2  }
0x8d: {  	s2 =	sadd.s32 s2, s16  }
0x8e: {  	[smem:$0x3FBA] =	sst s2  }
0x8f: {  	_ = 	snop  }
0x90: {  	(tm) =	ssettm $0x1  }
0x91: {  	s17 =	sld [smem:$0x3FFB];
	_ =	sdelay $0x3  }
0x92: {  	_ =	strace s17  }
0x93: {  	s2 =	sld [smem:$0x3FFC];
	_ =	sdelay $0x3  }
0x94: {  	_ =	strace s2  }
0x95: {  	s2 =	sld [smem:$0x3FFD];
	_ =	sdelay $0x3  }
0x96: {  	_ =	strace s2  }
0x97: {  	_ =	strace $0x8FFFFFFF  }
0x98: {  	s18 =	sld [smem:$0x3FDB];
	_ =	sdelay $0x1  }
0x99: {  	s19 =	simm.s32 $_scs_section_size  }
0x9a: {  	s4 =	simm.s32 $_size__tile_overlayer_lowered;
	s5 =	simm.s32 $_tile_overlayer_lowered  }
0x9b: {  	s22 =	simm.s32 $0x1BFF;
	s21 =	sshll.u32 s5, $0x1;
	s2 =	sadd.s32 s19, s18  }
0x9c: {  	s6 =	simm.s32 $0x0;
	s20 =	sshll.u32 s4, $0x1;
	s4 =	sadd.s32 s21, s2  }
0x9d: {  	[timem:s6], [sflag:s22] =	dma.local [hbm:s4], s20  }
0x9e: {  	_ =	swait.ge [sflag:s22], s20  }
0x9f: {  	s3 =	ssub.s32 $0x0, s20;
	[sflag:s22] =	ssyncset.done $0x0  }
0xa0: {  	[sflag:s22] =	ssyncadd.s32 s3;
	_ =	sdelay $0x1  }
0xa1: {  	s23 =	simm.s32 $0x1B8B  }
0xa2: {  	_ =	swait.ge [sflag:s23], $0x1  }
0xa3: {  	[sflag:s23] =	ssyncset.done $0x0  }
0xa4: {  	s25 =	simm.s32 $0x1B8E;
	s24 =	sld [smem:$0x3FFE];
	[sflag:s23] =	ssyncadd.s32 $0xFFFFFFFF  }
0xa5: {  	s26 =	simm.s32 $execute0_lowered;
	[smem:$0x3FD2] =	sst s25  }
0xa6: {  	s4 =	sshll.u32 s26, $0x1;
	_ =	strace $0x80000049;
	[dreg:$0x1] =	wrdreg $0xFFFFFFFF  }
0xa7: {  	s28 =	simm.s32 $_size_execute0_lowered;
	s2 =	sadd.s32 s2, s4;
	[dreg:$0x0] =	wrdreg $0x0  }
0xa8: {  	s4 =	sshll.u32 s28, $0x1;
	[dreg:$0x2] =	wrdreg s2  }
0xa9: {  	[dreg:$0x3] =	wrdreg s4  }
0xaa: {  	[dreg:$0x4] =	wrdreg $0xC0  }
0xab: {  	_ =	task [dreg:s6], $0x5FFFF  }
0xac: {  	[dreg:$0x1] =	wrdreg $0xFFFFFFFF  }
0xad: {  	[dreg:$0x0] =	wrdreg $0x60  }
0xae: {  	[dreg:$0x2] =	wrdreg s24  }
0xaf: {  	[dreg:$0x3] =	wrdreg $0x65000  }
0xb0: {  	[dreg:$0x4] =	wrdreg $0x9  }
0xb1: {  	_ =	task.clear_ibuf [dreg:s6], $0x5FFFF;
	_ =	strace $0x90000049  }
0xb2: {  	s29 =	simm.s32 $0x9;
	_ =	strace $0x8000004B  }
0xb3: {  	_ =	swait.ge [sflag:s29], $0x1  }
0xb4: {  	[sflag:s29] =	ssyncadd.s32 $0xFFFFFFFF  }
0xb5: {  	_ =	strace $0x9000004B  }
0xb6: {  	_ =	sfence  }
0xb7: {  	s30 =	sld [smem:$0x0];
	_ =	sdelay $0x2  }
0xb8: {  	s31 =	sshll.u32 s1, $0xD;
	s1 =	sshrl.u32 s1, $0x2  }
0xb9: {  	s3 =	sand.u32 $0x4000, s31;
	s1 =	sadd.s32 s1, s30  }
0xba: {  	s0 =	sor.u32 s3, s0;
	s1 =	sshll.u32 s1, $0x11  }
0xbb: {  	s0 =	sor.u32 s1, s0  }
0xbc: {  	s0 =	sadd.s32 $0x8F2B, s0  }
0xbd: {  	[sflag:s0] =	ssyncadd.remote.s32 $0x1  }
0xbe: {  	_ =	sfence.sel $0xFFFF  }
0xbf: {  	[dreg:$0x0] =	wrdreg $0xFFFFFFFF;
	(pc) =	sbr.abs _section_cstart, $3  }
0xc0: {  	[dreg:$0x1] =	wrdreg $0xFFFFFFFF  }
0xc1: {  	_ =	task.clear_ibuf [dreg:s6], $0x2FFFF;
	_ =	strace $0x9FFFFFFF  }
0xc2: {  	(tm) =	ssettm $0x7FFFFFFF  }
0xc3: {  	_ =	shalt  }
tec
execute0_lowered:
.L_overlay_start_1:
0x0: {  	(tag) =	ssettag $0x1  }
0x1: {  	s5 =	rddreg [dreg:$0x0];
	s2 =	srdreg.scid  }
0x2: {  	s1 =	rddreg [dreg:$0x1];
	s6 =	sand.u32 $0x1, s2  }
0x3: {  	s2 =	stileid.u32;
	s4 =	smul.u32 $0x138800, s6  }
0x4: {  	s0 =	rddreg [dreg:$0x2];
	s3 =	simm.s32 $0x0;
	s7 =	smul.u32 $0x2800, s2  }
0x5: {  	s15 =	simm.s32 $0x4100;
	s16 =	simm.s32 $0x48;
	s8 =	smul.u32 $0x28000, s6  }
0x6: {  	s17 =	simm.s32 $0x0;
	[smem:$0x7FF] =	sst s3;
	s11 =	smul.u32 $0x50000, s2  }
0x7: {  	s10 =	sadd.s32 $0x7400, s5;
	_ =	strace $0x8000004A;
	s12 =	smul.u32 $0x13880, s6  }
0x8: {  	s24 =	ssub.s32 $0x2, s6;
	s13 =	smul.u32 $0x1388, s2;
	s28 =	sshll.u32 s2, $0x6  }
0x9: {  	s14 =	smul.u32 $0x13880, s2;
	s25 =	sshrl.u32 s24, $0x1;
	s9 =	sadd.s32 s4, s5  }
0xa: {  	s4 =	sadd.s32 $0x2400, s5;
	s7 =	sadd.s32 s7, s8;
	s8 =	ssub.s32 s24, s25  }
0xb: {  	s26 =	sshrl.u32 s11, $0x2;
	s12 =	sadd.s32 s13, s12;
	s13 =	simm.s32 $0x80  }
0xc: {  	s7 =	sadd.s32 s7, s5;
	s11 =	sadd.s32 s26, s1;
	s5 =	sor.u32 $0x1C01, s28  }
0xd: {  	s29 =	sadd.s32 s14, s9;
	s30 =	sadd.s32 $0x80, s12;
	s12 =	sshrl.u32 s12, $0x3  }
0xe: {  	s14 =	simm.s32 $0x100;
	s6 =	sadd.s32 $0x27D400, s7;
	s7 =	smax.u32 s8, $0x1  }
0xf: {  	s8 =	sadd.s32 $0xC400, s29;
	s31 =	sshrl.u32 s30, $0x3;
	s9 =	sadd.s32 s12, s10  }
0x10: {  	s11 =	sshrl.u32 s11, $0x3;
	s12 =	simm.s32 $0x1;
	s10 =	sadd.s32 s31, s10  }
.LBB2_1:
0x11: {  	[spmem:s11], [sflag:s5] =	dma.local [hbm:s4], $0x2800  }
0x12: {  	_ =	swait.ge [sflag:s12], $0x2800  }
0x13: {  	[sflag:s12] =	ssyncset.done $0x0  }
0x14: {  	[sflag:s12] =	ssyncadd.s32 $0xFFFFD800  }
0x15: {  	s18 =	sadd.s32 $0x0, s9;
	[bflag:$0x0] =	sbarrier.arrive $0xFFFF  }
0x16: {  	[tilespmem:s3], [sflag:$0x1] =	stream.linear.gather [hbm4b:s18+s3], $0x80, $0x38;
	[tilespmem:$0x7900] =	vst v63  }
0x17: {  	_ =	swait.ge [sflag:s12], $0x80  }
0x18: {  	[sflag:s12] =	ssyncset.done $0x0  }
0x19: {  	s30 =	sadd.s32 $0x0, s10;
	[sflag:s12] =	ssyncadd.s32 $0xFFFFFF80  }
0x1a: {  	[tilespmem:s13], [sflag:$0x1] =	stream.linear.gather [hbm4b:s30+s3], $0x48, $0x38;
	[tilespmem:$0x7900] =	vst v63  }
0x1b: {  	_ =	swait.ge [sflag:s12], $0x48  }
0x1c: {  	[sflag:s12] =	ssyncset.done $0x0  }
0x1d: {  	[sflag:s12] =	ssyncadd.s32 $0xFFFFFFB8  }
0x1e: {  	[tilespmem:s14], [sflag:$0x1] =	stream.linear.gather [hbm4b:s8+s3], $0x4000, $0x38;
	[tilespmem:$0x7900] =	vst v63  }
0x1f: {  	_ =	swait.ge [sflag:s12], $0x4000  }
0x20: {  	[sflag:s12] =	ssyncset.done $0x0  }
0x21: {  	s31 =	sadd.s32 $0x800, s8;
	[sflag:s12] =	ssyncadd.s32 $0xFFFFC000  }
0x22: {  	[tilespmem:s15], [sflag:$0x1] =	stream.linear.gather [hbm4b:s31+s3], $0x2400, $0x38;
	[tilespmem:$0x7900] =	vst v63  }
0x23: {  	_ =	swait.ge [sflag:s12], $0x2400  }
0x24: {  	[sflag:s12] =	ssyncset.done $0x0  }
0x25: {  	[sflag:s12] =	ssyncadd.s32 $0xFFFFDC00  }
0x26: {  	[spmem:s1] =	stream.indirect.scatter.add.f32 [tilespmem:s14], [sflag:$0x1], $0x8, s3, s13, $0xb8;
	[tilespmem:$0x7900] =	vst v63  }
0x27: {  	_ =	swait.ge [sflag:s12], $0x400  }
0x28: {  	[sflag:s12] =	ssyncset.done $0x0  }
0x29: {  	[sflag:s12] =	ssyncadd.s32 $0xFFFFFC00  }
0x2a: {  	[spmem:s1] =	stream.indirect.scatter.add.f32 [tilespmem:s15], [sflag:$0x1], $0x8, s13, s16, $0xb8;
	[tilespmem:$0x7900] =	vst v63  }
0x2b: {  	s19 =	simm.s32 $0x19;
	_ =	swait.ge [sflag:s12], $0x240  }
0x2c: {  	s20 =	simm.s32 $0x32;
	s18 =	sadd.s32 $0xC80, s8;
	[sflag:s12] =	ssyncset.done $0x0  }
.LBB2_2:
0x2d: {  	s21 =	sadd.s32 s19, s9  }
0x2e: {  	[sflag:s12] =	ssyncadd.s32 $0xFFFFFDC0;
	s22 =	smov.u32 s20;
	s23 =	sadd.s32 $0x19, s20  }
0x2f: {  	[tilespmem:s3], [sflag:$0x1] =	stream.linear.gather [hbm4b:s21+s3], $0x80, $0x38;
	[tilespmem:$0x7900] =	vst v63  }
0x30: {  	p0 =	sne.s32 s20, $0x258;
	_ =	swait.ge [sflag:s12], $0x80  }
0x31: {  	[sflag:s12] =	ssyncset.done $0x0  }
0x32: {  	s20 =	sadd.s32 s19, s10;
	s19 =	smov.u32 s22;
	[sflag:s12] =	ssyncadd.s32 $0xFFFFFF80  }
0x33: {  	[tilespmem:s13], [sflag:$0x1] =	stream.linear.gather [hbm4b:s20+s3], $0x48, $0x38;
	[tilespmem:$0x7900] =	vst v63  }
0x34: {  	_ =	swait.ge [sflag:s12], $0x48  }
0x35: {  	[sflag:s12] =	ssyncset.done $0x0  }
0x36: {  	[sflag:s12] =	ssyncadd.s32 $0xFFFFFFB8  }
0x37: {  	[tilespmem:s14], [sflag:$0x1] =	stream.linear.gather [hbm4b:s18+s3], $0x4000, $0x38;
	[tilespmem:$0x7900] =	vst v63  }
0x38: {  	_ =	swait.ge [sflag:s12], $0x4000  }
0x39: {  	[sflag:s12] =	ssyncset.done $0x0  }
0x3a: {  	s20 =	sadd.s32 $0x800, s18;
	[sflag:s12] =	ssyncadd.s32 $0xFFFFC000  }
0x3b: {  	[tilespmem:s15], [sflag:$0x1] =	stream.linear.gather [hbm4b:s20+s3], $0x2400, $0x38;
	[tilespmem:$0x7900] =	vst v63  }
0x3c: {  	_ =	swait.ge [sflag:s12], $0x2400  }
0x3d: {  	[sflag:s12] =	ssyncset.done $0x0  }
0x3e: {  	[sflag:s12] =	ssyncadd.s32 $0xFFFFDC00  }
0x3f: {  	[spmem:s1] =	stream.indirect.scatter.add.f32 [tilespmem:s14], [sflag:$0x1], $0x8, s3, s13, $0xb8;
	[tilespmem:$0x7900] =	vst v63  }
0x40: {  	_ =	swait.ge [sflag:s12], $0x400  }
.Ltmp0:
0x41: {  	[sflag:s12] =	ssyncset.done $0x0;
	(pc) =	sbr.rel @p0 .LBB2_2-.Ltmp0, $4  }
0x42: {  	[sflag:s12] =	ssyncadd.s32 $0xFFFFFC00  }
0x43: {  	[spmem:s1] =	stream.indirect.scatter.add.f32 [tilespmem:s15], [sflag:$0x1], $0x8, s13, s16, $0xb8;
	[tilespmem:$0x7900] =	vst v63  }
0x44: {  	_ =	swait.ge [sflag:s12], $0x240  }
0x45: {  	s18 =	sadd.s32 $0xC80, s18;
	s20 =	smov.u32 s23;
	[sflag:s12] =	ssyncset.done $0x0  }
0x46: {  	s20 =	sadd.s32 s19, s9;
	[sflag:s12] =	ssyncadd.s32 $0xFFFFFDC0  }
0x47: {  	[tilespmem:s3], [sflag:$0x1] =	stream.linear.gather [hbm4b:s20+s3], $0x80, $0x38;
	[tilespmem:$0x7900] =	vst v63  }
0x48: {  	_ =	swait.ge [sflag:s12], $0x80  }
0x49: {  	[sflag:s12] =	ssyncset.done $0x0  }
0x4a: {  	s30 =	sadd.s32 s19, s10;
	[sflag:s12] =	ssyncadd.s32 $0xFFFFFF80  }
0x4b: {  	[tilespmem:s13], [sflag:$0x1] =	stream.linear.gather [hbm4b:s30+s3], $0x48, $0x38;
	[tilespmem:$0x7900] =	vst v63  }
0x4c: {  	_ =	swait.ge [sflag:s12], $0x48  }
0x4d: {  	[sflag:s12] =	ssyncset.done $0x0  }
0x4e: {  	[sflag:s12] =	ssyncadd.s32 $0xFFFFFFB8  }
0x4f: {  	[tilespmem:s14], [sflag:$0x1] =	stream.linear.gather [hbm4b:s18+s3], $0x4000, $0x38;
	[tilespmem:$0x7900] =	vst v63  }
0x50: {  	_ =	swait.ge [sflag:s12], $0x4000  }
0x51: {  	[sflag:s12] =	ssyncset.done $0x0  }
0x52: {  	s31 =	sadd.s32 $0x800, s18;
	[sflag:s12] =	ssyncadd.s32 $0xFFFFC000  }
0x53: {  	[tilespmem:s15], [sflag:$0x1] =	stream.linear.gather [hbm4b:s31+s3], $0x2400, $0x38;
	[tilespmem:$0x7900] =	vst v63  }
0x54: {  	_ =	swait.ge [sflag:s12], $0x2400  }
0x55: {  	[sflag:s12] =	ssyncset.done $0x0  }
0x56: {  	[sflag:s12] =	ssyncadd.s32 $0xFFFFDC00  }
0x57: {  	[spmem:s1] =	stream.indirect.scatter.add.f32 [tilespmem:s14], [sflag:$0x1], $0x8, s3, s13, $0xb8;
	[tilespmem:$0x7900] =	vst v63  }
0x58: {  	_ =	swait.ge [sflag:s12], $0x400  }
0x59: {  	[sflag:s12] =	ssyncset.done $0x0  }
0x5a: {  	[sflag:s12] =	ssyncadd.s32 $0xFFFFFC00  }
0x5b: {  	[spmem:s1] =	stream.indirect.scatter.add.f32 [tilespmem:s15], [sflag:$0x1], $0x8, s13, s16, $0xb8;
	[tilespmem:$0x7900] =	vst v63  }
0x5c: {  	_ =	swait.ge [sflag:s12], $0x240  }
0x5d: {  	s17 =	sadd.s32 $0x1, s17;
	[sflag:s12] =	ssyncset.done $0x0  }
0x5e: {  	p0 =	sne.s32 s17, s7;
	[sflag:s12] =	ssyncadd.s32 $0xFFFFFDC0  }
.Ltmp1:
0x5f: {  	[bflag:$0x0] =	sbarrier.arrive $0xFFFF;
	(pc) =	sbr.rel @p0 .LBB2_1-.Ltmp1, $4  }
0x60: {  	[hbm:s6], [sflag:s5] =	dma.local [spmem:s11], $0x2800  }
0x61: {  	_ =	swait.ge [sflag:s12], $0x2800  }
0x62: {  	[sflag:s12] =	ssyncset.done $0x0  }
0x63: {  	[sflag:s12] =	ssyncadd.s32 $0xFFFFD800  }
0x64: {  	_ =	sfence.sel $0x180000  }
0x65: {  	[bflag:$0x0] =	sbarrier.arrive $0xFFFF  }
0x66: {  	p0 =	sne.s32 s2, $0x0;
	_ =	strace $0x9000004A  }
0x67: {  	s0 =	sadd.s32 @!p0 $0x100000, s0;
	[bflag:$0x2] =	sbarrier.arrive $0xFFFF  }
0x68: {  	[sflag:s0] =	ssyncadd.tile.s32 @!p0 $0x1;
	_ =	shalt  }
.Lfunc_end2:
_tile_overlayer_lowered:
.L_overlay_start_2:
0x69: {  	(tag) =	ssettag $0x2  }
0x6a: {  	s0 =	rddreg [dreg:$0x0];
	s2 =	stileid.u32  }
0x6b: {  	s1 =	rddreg [dreg:$0x1];
	p0 =	sne.s32 s2, $0x0  }
0x6c: {  	s3 =	rddreg [dreg:$0x2];
	[bflag:$0x3] =	sbarrier.arrive $0xFFFF;
	s2 =	simm.s32 @!p0 $0x1C01  }
0x6d: {  	[timem:s3], [sflag:s2] =	dma.local @!p0 [hbm:s0], s1  }
0x6e: {  	s0 =	simm.s32 @!p0 $0x1  }
0x6f: {  	_ =	swait.ge @!p0 [sflag:s0], s1  }
0x70: {  	s1 =	ssub.s32 @!p0 $0x0, s1;
	[sflag:s0] =	ssyncset.done @!p0 $0x0  }
0x71: {  	[sflag:s0] =	ssyncadd.s32 @!p0 s1  }
0x72: {  	[bflag:$0x3] =	sbarrier.arrive $0xFFFF  }
0x73: {  	_ =	shalt  }

// kernel: kernel.8.cloned.1.call-start
scs
__scs_entry_jumppad:
0x0: {  	(pc) =	sbr.rel $0x88, $3  }
0x1: {  	(tag) =	ssettag $0x0;
	lr =	simm.s32 $0x1  }
0x2: {  	[smem:$0x3F93] =	sst lr;
	_ =	strace $0xD0000000  }
0x3: {  	_ = 	snop  }
0x4: {  	_ = 	snop  }
0x5: {  	_ = 	snop  }
0x6: {  	_ = 	snop  }
0x7: {  	_ = 	snop  }
__scs_overlays_trampoline_lowered:
0x8: {  	[smem:$0x3FA2] =	sst s0  }
0x9: {  	[smem:$0x3FA3] =	sst s1  }
0xa: {  	[smem:$0x3FA4] =	sst s2  }
0xb: {  	[smem:$0x3FA5] =	sst s3  }
0xc: {  	[smem:$0x3FA6] =	sst s4  }
0xd: {  	[smem:$0x3FA7] =	sst s5  }
0xe: {  	[smem:$0x3FA8] =	sst s6  }
0xf: {  	[smem:$0x3FA9] =	sst s7  }
0x10: {  	[smem:$0x3FAA] =	sst s8  }
0x11: {  	[smem:$0x3FAB] =	sst s9;
	s0 =	simm.s32 @!p0 $0x0  }
0x12: {  	s1 =	sld [smem:$0x3F91];
	s0 =	simm.s32 @p0 $0x1  }
0x13: {  	[smem:$0x3FAC] =	sst s0;
	s0 =	simm.s32 @!p1 $0x0  }
0x14: {  	s2 =	sld [smem:$0x3F90];
	s0 =	simm.s32 @p1 $0x1  }
0x15: {  	[smem:$0x3FAD] =	sst s0;
	s0 =	simm.s32 @!p2 $0x0  }
0x16: {  	s3 =	sld [smem:$0x3FDB];
	s0 =	simm.s32 @p2 $0x1  }
0x17: {  	s4 =	simm.s32 $0x1BF5;
	[smem:$0x3FAF] =	sst s0  }
0x18: {  	s0 =	sld [smem:$0x3F92];
	_ =	swait.ge [sflag:s4], $0x0  }
0x19: {  	s7 =	sld [smem:$0x3F93]  }
0x1a: {  	s8 =	sadd.s32 $0xFFFFE003, lr  }
0x1b: {  	s9 =	sadd.s32 $0xFFFFFEF7, lr;
	s5 =	simm.s32 $0xFFFFFFFF;
	p2 =	slt.u32 s8, $0xFFFFF086  }
0x1c: {  	p1 =	slt.u32 s9, $0xF7A;
	s5 =	simm.s32 @!p2 $0x0  }
0x1d: {  	s5 =	simm.s32 @p1 $0x1;
	p0 =	seq.s32 s7, s2  }
0x1e: {  	s7 =	smul.u32 @!p0 $0xF7A, s2;
	p2 =	seq.s32 @!p0 s5, $0x0  }
0x1f: {  	s9 =	smul.u32 $0xF7A, s1;
	s8 =	simm.s32 @!p0 $0x1BF5;
	p2 =	por !p2, p0  }
0x20: {  	[sflag:s8] =	ssyncset.s32 @!p0 $0xFFFFF086;
	s6 =	sadd.s32 @!p0 s3, s7;
	s7 =	simm.s32 @!p0 $0x108  }
0x21: {  	s3 =	sadd.s32 s3, s9;
	s6 =	sadd.s32 @!p0 $0x88, s6;
	s7 =	simm.s32 @p2 $0x1082  }
0x22: {  	[simem:s7], [sflag:s8] =	dma.local @!p0 [hbm:s6], $0xF7A  }
0x23: {  	s9 =	sor.u32 $0xD0000000, s2;
	s6 =	simm.s32 $0x108;
	_ =	swait.ge @!p0 [sflag:s8], $0x0  }
0x24: {  	s3 =	sadd.s32 $0x88, s3;
	s6 =	simm.s32 @!p1 $0x1082;
	[sflag:s4] =	ssyncset.s32 $0xFFFFF086  }
0x25: {  	[simem:s6], [sflag:s4] =	dma.local [hbm:s3], $0xF7A  }
0x26: {  	[smem:$0x3F93] =	sst s1;
	(tag) =	ssettag s2;
	_ =	strace s9  }
0x27: {  	s1 =	sld [smem:$0x3FA3]  }
0x28: {  	s2 =	sld [smem:$0x3FA4]  }
0x29: {  	s4 =	sld [smem:$0x3FA6]  }
0x2a: {  	p0 =	seq.s32 s5, $0x0;
	s5 =	sld [smem:$0x3FA7]  }
0x2b: {  	s6 =	sld [smem:$0x3FA8]  }
0x2c: {  	s7 =	sld [smem:$0x3FA9]  }
0x2d: {  	s3 =	simm.s32 $0x108;
	s8 =	sld [smem:$0x3FAA]  }
0x2e: {  	s3 =	simm.s32 @!p0 $0x1082;
	s9 =	sld [smem:$0x3FAB]  }
0x2f: {  	lr =	sadd.s32 s0, s3;
	s0 =	sld [smem:$0x3FA2]  }
0x30: {  	s3 =	sld [smem:$0x3FA5]  }
0x31: {  	[smem:$0x3FAE] =	sst s10  }
0x32: {  	s10 =	sld [smem:$0x3FAC];
	_ =	sdelay $0x3  }
0x33: {  	p0 =	seq.s32 s10, $0x1;
	s10 =	sld [smem:$0x3FAE];
	_ =	sdelay $0x3  }
0x34: {  	[smem:$0x3FAE] =	sst s10  }
0x35: {  	s10 =	sld [smem:$0x3FAD];
	_ =	sdelay $0x3  }
0x36: {  	p1 =	seq.s32 s10, $0x1;
	s10 =	sld [smem:$0x3FAE];
	_ =	sdelay $0x3  }
0x37: {  	[smem:$0x3FAE] =	sst s10  }
0x38: {  	s10 =	sld [smem:$0x3FAF]  }
0x39: {  	_ = 	snop;
	(pc) =	sbr.ind lr, $3  }
0x3a: {  	_ = 	snop  }
0x3b: {  	_ = 	snop  }
0x3c: {  	p2 =	seq.s32 s10, $0x1;
	s10 =	sld [smem:$0x3FAE]  }
0x3d: {  	_ =	shalt  }
0x3e: {  	_ =	shalt  }
0x3f: {  	_ =	shalt  }
0x40: {  	_ =	shalt  }
0x41: {  	_ =	shalt  }
0x42: {  	_ =	shalt  }
0x43: {  	_ =	shalt  }
0x44: {  	_ =	shalt  }
0x45: {  	_ =	shalt  }
0x46: {  	_ =	shalt  }
0x47: {  	_ =	shalt  }
0x48: {  	_ =	shalt  }
0x49: {  	_ =	shalt  }
0x4a: {  	_ =	shalt  }
0x4b: {  	_ =	shalt  }
0x4c: {  	_ =	shalt  }
0x4d: {  	_ =	shalt  }
0x4e: {  	_ =	shalt  }
0x4f: {  	_ =	shalt  }
0x50: {  	_ =	shalt  }
0x51: {  	_ =	shalt  }
0x52: {  	_ =	shalt  }
0x53: {  	_ =	shalt  }
0x54: {  	_ =	shalt  }
0x55: {  	_ =	shalt  }
0x56: {  	_ =	shalt  }
0x57: {  	_ =	shalt  }
0x58: {  	_ =	shalt  }
0x59: {  	_ =	shalt  }
0x5a: {  	_ =	shalt  }
0x5b: {  	_ =	shalt  }
0x5c: {  	_ =	shalt  }
0x5d: {  	_ =	shalt  }
0x5e: {  	_ =	shalt  }
0x5f: {  	_ =	shalt  }
0x60: {  	_ =	shalt  }
0x61: {  	_ =	shalt  }
0x62: {  	_ =	shalt  }
0x63: {  	_ =	shalt  }
0x64: {  	_ =	shalt  }
0x65: {  	_ =	shalt  }
0x66: {  	_ =	shalt  }
0x67: {  	_ =	shalt  }
0x68: {  	_ =	shalt  }
0x69: {  	_ =	shalt  }
0x6a: {  	_ =	shalt  }
0x6b: {  	_ =	shalt  }
0x6c: {  	_ =	shalt  }
0x6d: {  	_ =	shalt  }
0x6e: {  	_ =	shalt  }
0x6f: {  	_ =	shalt  }
0x70: {  	_ =	shalt  }
0x71: {  	_ =	shalt  }
0x72: {  	_ =	shalt  }
0x73: {  	_ =	shalt  }
0x74: {  	_ =	shalt  }
0x75: {  	_ =	shalt  }
0x76: {  	_ =	shalt  }
0x77: {  	_ =	shalt  }
0x78: {  	_ =	shalt  }
0x79: {  	_ =	shalt  }
0x7a: {  	_ =	shalt  }
0x7b: {  	_ =	shalt  }
0x7c: {  	_ =	shalt  }
0x7d: {  	_ =	shalt  }
0x7e: {  	_ =	shalt  }
0x7f: {  	_ =	shalt  }
0x80: {  	_ =	shalt  }
0x81: {  	_ =	shalt  }
0x82: {  	_ =	shalt  }
0x83: {  	_ =	shalt  }
0x84: {  	_ =	shalt  }
0x85: {  	_ =	shalt  }
0x86: {  	_ =	shalt  }
0x87: {  	_ =	shalt  }
.Lfunc_end0:
.L_simem_size_0:
called_computation_lowered:
.L_overlay_start_0:
0x88: {  	s2 =	sld [smem:$0x3FD9]  }
0x89: {  	s3 =	sld [smem:$0x3FFE];
	_ =	sdelay $0x1  }
0x8a: {  	s1 =	srdreg.scid  }
0x8b: {  	s0 =	sand.u32 $0x1, s1  }
0x8c: {  	s17 =	sshll.u32 s0, $0xA;
	s2 =	sadd.s32 s3, s2  }
0x8d: {  	s2 =	sadd.s32 s2, s17  }
0x8e: {  	[smem:$0x3FBA] =	sst s2  }
0x8f: {  	_ = 	snop  }
0x90: {  	s2 =	sld [smem:$0x3FC9];
	(tm) =	ssettm $0x1  }
0x91: {  	s18 =	sld [smem:$0x3FFB];
	_ =	sdelay $0x3  }
0x92: {  	_ =	strace s18  }
0x93: {  	s3 =	sld [smem:$0x3FFC];
	_ =	sdelay $0x3  }
0x94: {  	_ =	strace s3  }
0x95: {  	s3 =	sld [smem:$0x3FFD];
	_ =	sdelay $0x3  }
0x96: {  	_ =	strace s3  }
0x97: {  	_ =	strace $0x8FFFFFFF  }
0x98: {  	s19 =	sld [smem:$0x3FDB];
	_ =	sdelay $0x1  }
0x99: {  	s4 =	simm.s32 $_scs_section_size  }
0x9a: {  	s5 =	simm.s32 $_size__tile_overlayer_lowered;
	s6 =	simm.s32 $_tile_overlayer_lowered  }
0x9b: {  	s22 =	simm.s32 $0x1BFF;
	s21 =	sshll.u32 s6, $0x1;
	s3 =	sadd.s32 s4, s19  }
0x9c: {  	s7 =	simm.s32 $0x0;
	s20 =	sshll.u32 s5, $0x1;
	s5 =	sadd.s32 s21, s3  }
0x9d: {  	[timem:s7], [sflag:s22] =	dma.local [hbm:s5], s20  }
0x9e: {  	_ =	swait.ge [sflag:s22], s20  }
0x9f: {  	s4 =	ssub.s32 $0x0, s20;
	[sflag:s22] =	ssyncset.done $0x0  }
0xa0: {  	[sflag:s22] =	ssyncadd.s32 s4;
	_ =	sdelay $0x1  }
0xa1: {  	s23 =	simm.s32 $0x1B8B  }
0xa2: {  	_ =	swait.ge [sflag:s23], $0x1  }
0xa3: {  	[sflag:s23] =	ssyncset.done $0x0  }
0xa4: {  	s25 =	simm.s32 $0x1B8E;
	s24 =	sld [smem:$0x3FFE];
	[sflag:s23] =	ssyncadd.s32 $0xFFFFFFFF  }
0xa5: {  	s26 =	simm.s32 $execute0_lowered;
	[smem:$0x3FD2] =	sst s25  }
0xa6: {  	s5 =	sshll.u32 s26, $0x1;
	_ =	strace $0x80000046;
	[dreg:$0x1] =	wrdreg $0xFFFFFFFF  }
0xa7: {  	s28 =	simm.s32 $_size_execute0_lowered;
	s3 =	sadd.s32 s3, s5;
	[dreg:$0x0] =	wrdreg $0x0  }
0xa8: {  	s5 =	sshll.u32 s28, $0x1;
	[dreg:$0x2] =	wrdreg s3  }
0xa9: {  	[dreg:$0x3] =	wrdreg s5  }
0xaa: {  	[dreg:$0x4] =	wrdreg $0xC0  }
0xab: {  	_ =	task [dreg:s7], $0x5FFFF  }
0xac: {  	[dreg:$0x1] =	wrdreg $0xFFFFFFFF  }
0xad: {  	[dreg:$0x0] =	wrdreg $0x60  }
0xae: {  	[dreg:$0x2] =	wrdreg s2  }
0xaf: {  	[dreg:$0x3] =	wrdreg s24  }
0xb0: {  	[dreg:$0x4] =	wrdreg $0x9  }
0xb1: {  	_ =	task.clear_ibuf [dreg:s7], $0x5FFFF;
	_ =	strace $0x90000046  }
0xb2: {  	s29 =	simm.s32 $0x9;
	_ =	strace $0x80000048  }
0xb3: {  	_ =	swait.ge [sflag:s29], $0x1  }
0xb4: {  	[sflag:s29] =	ssyncadd.s32 $0xFFFFFFFF  }
0xb5: {  	_ =	strace $0x90000048  }
0xb6: {  	_ =	sfence  }
0xb7: {  	s30 =	sld [smem:$0x0];
	_ =	sdelay $0x2  }
0xb8: {  	s31 =	sshll.u32 s1, $0xD;
	s1 =	sshrl.u32 s1, $0x2  }
0xb9: {  	s3 =	sand.u32 $0x4000, s31;
	s1 =	sadd.s32 s1, s30  }
0xba: {  	s0 =	sor.u32 s3, s0;
	s1 =	sshll.u32 s1, $0x11  }
0xbb: {  	s0 =	sor.u32 s1, s0  }
0xbc: {  	s0 =	sadd.s32 $0x8F2B, s0  }
0xbd: {  	[sflag:s0] =	ssyncadd.remote.s32 $0x1  }
0xbe: {  	_ =	sfence.sel $0xFFFF  }
0xbf: {  	[dreg:$0x0] =	wrdreg $0xFFFFFFFF;
	(pc) =	sbr.abs _section_cstart, $3  }
0xc0: {  	[dreg:$0x1] =	wrdreg $0xFFFFFFFF  }
0xc1: {  	_ =	task.clear_ibuf [dreg:s7], $0x2FFFF;
	_ =	strace $0x9FFFFFFF  }
0xc2: {  	(tm) =	ssettm $0x7FFFFFFF  }
0xc3: {  	_ =	shalt  }
tec
execute0_lowered:
.L_overlay_start_1:
0x0: {  	(tag) =	ssettag $0x1  }
0x1: {  	s2 =	rddreg [dreg:$0x0]  }
0x2: {  	s4 =	rddreg [dreg:$0x1]  }
0x3: {  	s0 =	rddreg [dreg:$0x2];
	s1 =	stileid.u32  }
0x4: {  	s3 =	simm.s32 $0x0;
	s6 =	srdreg.scid;
	s12 =	simm.s32 $0x4100  }
0x5: {  	s13 =	simm.s32 $0x1;
	s14 =	simm.s32 $0x0;
	s5 =	smul.u32 $0x27100, s1  }
0x6: {  	[smem:$0x7FF] =	sst s3;
	s6 =	sand.u32 $0x1, s6;
	s7 =	smul.u32 $0x2710, s1  }
0x7: {  	s10 =	sadd.s32 $0x2400, s4;
	s8 =	ssub.s32 $0x2, s6;
	s9 =	smul.u32 $0x1388, s6  }
0x8: {  	_ =	strace $0x80000047;
	s6 =	smul.u32 $0x13880, s6;
	s11 =	sshrl.u32 s8, $0x1  }
0x9: {  	s5 =	sadd.s32 s5, s4;
	s29 =	ssub.s32 s8, s11;
	s7 =	sadd.s32 s9, s7  }
0xa: {  	s5 =	sadd.s32 s6, s5;
	s8 =	simm.s32 $0x2;
	s9 =	simm.s32 $0x80  }
0xb: {  	s11 =	simm.s32 $0x48;
	s4 =	smax.u32 s29, $0x1;
	s30 =	sadd.s32 $0x80, s7  }
0xc: {  	s5 =	sadd.s32 $0xC400, s5;
	s7 =	sshrl.u32 s7, $0x3;
	s31 =	sshrl.u32 s30, $0x3  }
0xd: {  	s6 =	sadd.s32 s7, s10;
	s7 =	sadd.s32 s31, s10;
	s10 =	simm.s32 $0x100  }
.LBB2_1:
0xe: {  	s15 =	sadd.s32 $0x0, s6  }
0xf: {  	[tilespmem:s3], [sflag:$0x2] =	stream.linear.gather [hbm4b:s15+s3], $0x80, $0x38;
	[tilespmem:$0x6500] =	vst v63  }
0x10: {  	_ =	swait.ge [sflag:s8], $0x80  }
0x11: {  	[sflag:s8] =	ssyncset.done $0x0  }
0x12: {  	s30 =	sadd.s32 $0x0, s7;
	[sflag:s8] =	ssyncadd.s32 $0xFFFFFF80  }
0x13: {  	[tilespmem:s9], [sflag:$0x2] =	stream.linear.gather [hbm4b:s30+s3], $0x48, $0x38;
	[tilespmem:$0x6500] =	vst v63  }
0x14: {  	_ =	swait.ge [sflag:s8], $0x48  }
0x15: {  	[sflag:s8] =	ssyncset.done $0x0  }
0x16: {  	[sflag:s8] =	ssyncadd.s32 $0xFFFFFFB8  }
0x17: {  	[tilespmem:s10], [sflag:$0x1] =	stream.indirect.gather [hbm4b:s2+s9], $0x80, s3, s9, $0xb8;
	[tilespmem:$0x6500] =	vst v63  }
0x18: {  	_ = 	snop  }
0x19: {  	[tilespmem:s12], [sflag:$0x1] =	stream.indirect.gather [hbm4b:s2+s11], $0x80, s9, s11, $0xb8;
	[tilespmem:$0x6500] =	vst v63  }
0x1a: {  	_ =	swait.ge [sflag:s13], $0x4000  }
0x1b: {  	[sflag:s13] =	ssyncset.done $0x0  }
0x1c: {  	[sflag:s13] =	ssyncadd.s32 $0xFFFFC000  }
0x1d: {  	_ =	swait.ge [sflag:s13], $0x2400  }
0x1e: {  	[sflag:s13] =	ssyncset.done $0x0  }
0x1f: {  	[sflag:s13] =	ssyncadd.s32 $0xFFFFDC00  }
0x20: {  	[hbm4b:s5+s3] =	stream.linear.scatter [tilespmem:s10], [sflag:$0x2], $0x4000, $0x38;
	[tilespmem:$0x6500] =	vst v63  }
0x21: {  	_ =	swait.ge [sflag:s8], $0x4000  }
0x22: {  	[sflag:s8] =	ssyncset.done $0x0  }
0x23: {  	s31 =	sadd.s32 $0x800, s5;
	[sflag:s8] =	ssyncadd.s32 $0xFFFFC000  }
0x24: {  	[hbm4b:s31+s3] =	stream.linear.scatter [tilespmem:s12], [sflag:$0x2], $0x2400, $0x38;
	[tilespmem:$0x6500] =	vst v63  }
0x25: {  	s16 =	simm.s32 $0x19;
	_ =	swait.ge [sflag:s8], $0x2400  }
0x26: {  	s17 =	simm.s32 $0x32;
	s15 =	sadd.s32 $0xC80, s5;
	[sflag:s8] =	ssyncset.done $0x0  }
.LBB2_2:
0x27: {  	s18 =	sadd.s32 s16, s6  }
0x28: {  	[sflag:s8] =	ssyncadd.s32 $0xFFFFDC00;
	s19 =	smov.u32 s17;
	s20 =	sadd.s32 $0x19, s17  }
0x29: {  	[tilespmem:s3], [sflag:$0x2] =	stream.linear.gather [hbm4b:s18+s3], $0x80, $0x38;
	[tilespmem:$0x6500] =	vst v63  }
0x2a: {  	p0 =	sne.s32 s17, $0x258;
	_ =	swait.ge [sflag:s8], $0x80  }
0x2b: {  	[sflag:s8] =	ssyncset.done $0x0  }
0x2c: {  	s17 =	sadd.s32 s16, s7;
	s16 =	smov.u32 s19;
	[sflag:s8] =	ssyncadd.s32 $0xFFFFFF80  }
0x2d: {  	[tilespmem:s9], [sflag:$0x2] =	stream.linear.gather [hbm4b:s17+s3], $0x48, $0x38;
	[tilespmem:$0x6500] =	vst v63  }
0x2e: {  	_ =	swait.ge [sflag:s8], $0x48  }
0x2f: {  	[sflag:s8] =	ssyncset.done $0x0  }
0x30: {  	[sflag:s8] =	ssyncadd.s32 $0xFFFFFFB8  }
0x31: {  	[tilespmem:s10], [sflag:$0x1] =	stream.indirect.gather [hbm4b:s2+s9], $0x80, s3, s9, $0xb8;
	[tilespmem:$0x6500] =	vst v63  }
0x32: {  	_ = 	snop  }
0x33: {  	[tilespmem:s12], [sflag:$0x1] =	stream.indirect.gather [hbm4b:s2+s11], $0x80, s9, s11, $0xb8;
	[tilespmem:$0x6500] =	vst v63  }
0x34: {  	_ =	swait.ge [sflag:s13], $0x4000  }
0x35: {  	[sflag:s13] =	ssyncset.done $0x0  }
0x36: {  	[sflag:s13] =	ssyncadd.s32 $0xFFFFC000  }
0x37: {  	_ =	swait.ge [sflag:s13], $0x2400  }
0x38: {  	[sflag:s13] =	ssyncset.done $0x0  }
0x39: {  	[sflag:s13] =	ssyncadd.s32 $0xFFFFDC00  }
0x3a: {  	[hbm4b:s15+s3] =	stream.linear.scatter [tilespmem:s10], [sflag:$0x2], $0x4000, $0x38;
	[tilespmem:$0x6500] =	vst v63  }
0x3b: {  	_ =	swait.ge [sflag:s8], $0x4000  }
.Ltmp0:
0x3c: {  	[sflag:s8] =	ssyncset.done $0x0;
	(pc) =	sbr.rel @p0 .LBB2_2-.Ltmp0, $4  }
0x3d: {  	s17 =	sadd.s32 $0x800, s15;
	[sflag:s8] =	ssyncadd.s32 $0xFFFFC000  }
0x3e: {  	[hbm4b:s17+s3] =	stream.linear.scatter [tilespmem:s12], [sflag:$0x2], $0x2400, $0x38;
	[tilespmem:$0x6500] =	vst v63  }
0x3f: {  	_ =	swait.ge [sflag:s8], $0x2400  }
0x40: {  	s15 =	sadd.s32 $0xC80, s15;
	s17 =	smov.u32 s20;
	[sflag:s8] =	ssyncset.done $0x0  }
0x41: {  	s17 =	sadd.s32 s16, s6;
	[sflag:s8] =	ssyncadd.s32 $0xFFFFDC00  }
0x42: {  	[tilespmem:s3], [sflag:$0x2] =	stream.linear.gather [hbm4b:s17+s3], $0x80, $0x38;
	[tilespmem:$0x6500] =	vst v63  }
0x43: {  	_ =	swait.ge [sflag:s8], $0x80  }
0x44: {  	[sflag:s8] =	ssyncset.done $0x0  }
0x45: {  	s30 =	sadd.s32 s16, s7;
	[sflag:s8] =	ssyncadd.s32 $0xFFFFFF80  }
0x46: {  	[tilespmem:s9], [sflag:$0x2] =	stream.linear.gather [hbm4b:s30+s3], $0x48, $0x38;
	[tilespmem:$0x6500] =	vst v63  }
0x47: {  	_ =	swait.ge [sflag:s8], $0x48  }
0x48: {  	[sflag:s8] =	ssyncset.done $0x0  }
0x49: {  	[sflag:s8] =	ssyncadd.s32 $0xFFFFFFB8  }
0x4a: {  	[tilespmem:s10], [sflag:$0x1] =	stream.indirect.gather [hbm4b:s2+s9], $0x80, s3, s9, $0xb8;
	[tilespmem:$0x6500] =	vst v63  }
0x4b: {  	_ = 	snop  }
0x4c: {  	[tilespmem:s12], [sflag:$0x1] =	stream.indirect.gather [hbm4b:s2+s11], $0x80, s9, s11, $0xb8;
	[tilespmem:$0x6500] =	vst v63  }
0x4d: {  	_ =	swait.ge [sflag:s13], $0x4000  }
0x4e: {  	[sflag:s13] =	ssyncset.done $0x0  }
0x4f: {  	[sflag:s13] =	ssyncadd.s32 $0xFFFFC000  }
0x50: {  	_ =	swait.ge [sflag:s13], $0x2400  }
0x51: {  	[sflag:s13] =	ssyncset.done $0x0  }
0x52: {  	[sflag:s13] =	ssyncadd.s32 $0xFFFFDC00  }
0x53: {  	[hbm4b:s15+s3] =	stream.linear.scatter [tilespmem:s10], [sflag:$0x2], $0x4000, $0x38;
	[tilespmem:$0x6500] =	vst v63  }
0x54: {  	s14 =	sadd.s32 $0x1, s14;
	_ =	swait.ge [sflag:s8], $0x4000  }
0x55: {  	p0 =	sne.s32 s14, s4;
	[sflag:s8] =	ssyncset.done $0x0  }
.Ltmp1:
0x56: {  	s31 =	sadd.s32 $0x800, s15;
	[sflag:s8] =	ssyncadd.s32 $0xFFFFC000;
	(pc) =	sbr.rel @p0 .LBB2_1-.Ltmp1, $4  }
0x57: {  	[hbm4b:s31+s3] =	stream.linear.scatter [tilespmem:s12], [sflag:$0x2], $0x2400, $0x38;
	[tilespmem:$0x6500] =	vst v63  }
0x58: {  	_ =	swait.ge [sflag:s8], $0x2400  }
0x59: {  	[sflag:s8] =	ssyncset.done $0x0  }
0x5a: {  	[sflag:s8] =	ssyncadd.s32 $0xFFFFDC00  }
0x5b: {  	_ =	sfence.sel $0x180000  }
0x5c: {  	[bflag:$0x0] =	sbarrier.arrive $0xFFFF  }
0x5d: {  	p0 =	sne.s32 s1, $0x0;
	_ =	strace $0x90000047  }
0x5e: {  	s0 =	sadd.s32 @!p0 $0x100000, s0;
	[bflag:$0x2] =	sbarrier.arrive $0xFFFF  }
0x5f: {  	[sflag:s0] =	ssyncadd.tile.s32 @!p0 $0x1;
	_ =	shalt  }
.Lfunc_end2:
_tile_overlayer_lowered:
.L_overlay_start_2:
0x60: {  	(tag) =	ssettag $0x2  }
0x61: {  	s0 =	rddreg [dreg:$0x0];
	s2 =	stileid.u32  }
0x62: {  	s1 =	rddreg [dreg:$0x1];
	p0 =	sne.s32 s2, $0x0  }
0x63: {  	s3 =	rddreg [dreg:$0x2];
	[bflag:$0x3] =	sbarrier.arrive $0xFFFF;
	s2 =	simm.s32 @!p0 $0x1C02  }
0x64: {  	[timem:s3], [sflag:s2] =	dma.local @!p0 [hbm:s0], s1  }
0x65: {  	s0 =	simm.s32 @!p0 $0x2  }
0x66: {  	_ =	swait.ge @!p0 [sflag:s0], s1  }
0x67: {  	s1 =	ssub.s32 @!p0 $0x0, s1;
	[sflag:s0] =	ssyncset.done @!p0 $0x0  }
0x68: {  	[sflag:s0] =	ssyncadd.s32 @!p0 s1  }
0x69: {  	[bflag:$0x3] =	sbarrier.arrive $0xFFFF  }
0x6a: {  	_ =	shalt  }

</sc_bundles>
